<compile_context>
chip_gen: v7x
topology: tpu7x:2x2x1
jax: 0.10.2.dev20260603
libtpu: 0.0.44.dev20260713+nightly
codegen_flags: <defaults>
</compile_context>

<pallas_src>
import jax
import jax.numpy as jnp
from jax import lax
from jax.experimental import pallas as pl
from jax.experimental.pallas import tpu as pltpu
from jax.experimental.pallas import tpu_sc as plsc

NUM_EMBEDDINGS = 100000
EMBEDDING_DIM = 128

_info = plsc.get_sparse_core_info()
_NC, _NS = _info.num_cores, _info.num_subcores
_NW = _NC * _NS

_NSEQ = 4096
_SEQLEN = 50
_SEQ_PER_W = _NSEQ // _NW
_HALF = _SEQ_PER_W // 2
_NUNITS = _SEQLEN * 2
_NBUF = 10


def _gather_body(idx_hbm, table_hbm, out_hbm, idx_v, *rest):
    bufs = rest[:_NBUF]
    sems = rest[_NBUF:]
    wid = lax.axis_index("s") * _NC + lax.axis_index("c")
    sbase = wid * _SEQ_PER_W
    pltpu.sync_copy(idx_hbm.at[:, pl.ds(sbase, _SEQ_PER_W)], idx_v)

    def start_gather(u, buf, sem):
        j, h = u // 2, u % 2
        pltpu.async_copy(
            table_hbm.at[idx_v.at[j, pl.ds(h * _HALF, _HALF)]], buf, sem
        )

    def wait_gather(u, buf, sem):
        j, h = u // 2, u % 2
        pltpu.make_async_copy(
            table_hbm.at[idx_v.at[j, pl.ds(h * _HALF, _HALF)]], buf, sem
        ).wait()

    for b in range(_NBUF):
        start_gather(b, bufs[b], sems[b])

    def outer(u0):
        for b in range(_NBUF):
            u = u0 + b
            wait_gather(u, bufs[b], sems[b])
            j, h = u // 2, u % 2
            pltpu.sync_copy(
                bufs[b], out_hbm.at[j, pl.ds(sbase + h * _HALF, _HALF)]
            )

            @pl.when(u + _NBUF < _NUNITS)
            def _():
                start_gather(u + _NBUF, bufs[b], sems[b])

    pl.loop(0, _NUNITS, step=_NBUF)(outer)


@jax.jit
def _lookup(ids_t, table):
    mesh = plsc.VectorSubcoreMesh(core_axis_name="c", subcore_axis_name="s")
    return pl.kernel(
        _gather_body,
        mesh=mesh,
        out_type=jax.ShapeDtypeStruct((_SEQLEN, _NSEQ, EMBEDDING_DIM), jnp.float32),
        scratch_types=(
            [pltpu.VMEM((_SEQLEN, _SEQ_PER_W), jnp.int32)]
            + [pltpu.VMEM((_HALF, EMBEDDING_DIM), jnp.float32)] * _NBUF
            + [pltpu.SemaphoreType.DMA] * _NBUF
        ),
    )(ids_t, table)


def kernel(token_ids, embedding_map):
    ids_t = token_ids.astype(jnp.int32).T
    rows = _lookup(ids_t, embedding_map)
    return rows.transpose(1, 0, 2)

# --- scband reference (transcript-rebuilt; emitter-appended) ---
"""Pipeline reference for scband-embedding-18622978195589 (READ-ONLY COPY).

The authoritative reference and input builder live on the scoring server;
editing this copy changes nothing except your own understanding.
"""

import jax, jax.numpy as jnp
import numpy as np

NUM_EMBEDDINGS = 100000
EMBEDDING_DIM = 128

def setup_inputs(seed: int = 0) -> dict:
    key = jax.random.key(seed)
    k1, k2 = jax.random.split(key)
    token_ids = jax.random.randint(k1, (4096, 50), 0, NUM_EMBEDDINGS, dtype=jnp.int64 if jax.config.jax_enable_x64 else jnp.int32)
    # truncated normal init in [-3, 3], mean 0, std 1 (matches nn.init.trunc_normal_)
    embedding_map = jax.random.truncated_normal(k2, -3.0, 3.0, (NUM_EMBEDDINGS, EMBEDDING_DIM), dtype=jnp.float32)
    return {"token_ids": token_ids, "embedding_map": embedding_map}

def reference(token_ids, embedding_map):
    # Faithful translation of: self.embedding_map[token_ids]
    return jnp.take(embedding_map, token_ids, axis=0)

if __name__ == "__main__":
    import jax
    _d = setup_inputs()
    print(jax.jit(kernel)(*tuple(_d.values())))

</pallas_src>

<mosaic_0001>
#map = affine_map<(d0, d1) -> (0, 0)>
#map1 = affine_map<(d0, d1) -> (0, 0, 0)>
module attributes {stable_mosaic.version = 14 : i64} {
  func.func @_gather_body(%arg0: i32, %arg1: i32, %arg2: memref<50x4096xi32, #tpu.memory_space<hbm>>, %arg3: memref<100000x128xf32, #tpu.memory_space<hbm>>, %arg4: memref<50x4096x128xf32, #tpu.memory_space<hbm>>, %arg5: memref<50x128xi32, #tpu.memory_space<vmem>>, %arg6: memref<64x128xf32, #tpu.memory_space<vmem>>, %arg7: memref<64x128xf32, #tpu.memory_space<vmem>>, %arg8: memref<64x128xf32, #tpu.memory_space<vmem>>, %arg9: memref<64x128xf32, #tpu.memory_space<vmem>>, %arg10: memref<64x128xf32, #tpu.memory_space<vmem>>, %arg11: memref<64x128xf32, #tpu.memory_space<vmem>>, %arg12: memref<64x128xf32, #tpu.memory_space<vmem>>, %arg13: memref<64x128xf32, #tpu.memory_space<vmem>>, %arg14: memref<64x128xf32, #tpu.memory_space<vmem>>, %arg15: memref<64x128xf32, #tpu.memory_space<vmem>>, %arg16: memref<!tpu.dma_semaphore, #tpu.memory_space<semaphore_mem>>, %arg17: memref<!tpu.dma_semaphore, #tpu.memory_space<semaphore_mem>>, %arg18: memref<!tpu.dma_semaphore, #tpu.memory_space<semaphore_mem>>, %arg19: memref<!tpu.dma_semaphore, #tpu.memory_space<semaphore_mem>>, %arg20: memref<!tpu.dma_semaphore, #tpu.memory_space<semaphore_mem>>, %arg21: memref<!tpu.dma_semaphore, #tpu.memory_space<semaphore_mem>>, %arg22: memref<!tpu.dma_semaphore, #tpu.memory_space<semaphore_mem>>, %arg23: memref<!tpu.dma_semaphore, #tpu.memory_space<semaphore_mem>>, %arg24: memref<!tpu.dma_semaphore, #tpu.memory_space<semaphore_mem>>, %arg25: memref<!tpu.dma_semaphore, #tpu.memory_space<semaphore_mem>>) attributes {dimension_semantics = [#tpu.dimension_semantics<core_parallel>, #tpu.dimension_semantics<subcore_parallel>], iteration_bounds = array<i64: 2, 16>, scalar_prefetch = 0 : i64, scratch_operands = 21 : i64, tpu.core_type = #tpu.core_type<sc_vector_subcore>, window_params = [{transform_indices = #map}, {transform_indices = #map}, {transform_indices = #map1}]} {
    %mul3A = arith.constant 2 : i32
    %mul3A_0 = arith.muli %arg1, %mul3A : i32
    %add3A = arith.addi %mul3A_0, %arg0 : i32
    %mul3A_1 = arith.constant 128 : i32
    %mul3A_2 = arith.muli %add3A, %mul3A_1 : i32
    "tpu.region"() ({
      %run_scoped3A = tpu.sem_alloc : memref<!tpu.dma_semaphore, #tpu.memory_space<semaphore_mem>>
      %dma_start3A_76 = arith.constant 0 : i32
      %dma_start3A_77 = tpu.memref_slice %arg2[%dma_start3A_76, %mul3A_2] : memref<50x4096xi32, #tpu.memory_space<hbm>> -> memref<50x128xi32, #tpu.memory_space<hbm>>
      %dma_start3A_78 = arith.constant 0 : i32
      %dma_start3A_79 = tpu.memref_slice %arg2[%dma_start3A_78, %mul3A_2] : memref<50x4096xi32, #tpu.memory_space<hbm>> -> memref<50x128xi32, #tpu.memory_space<hbm>>
      tpu.enqueue_dma source(%dma_start3A_79 : memref<50x128xi32, #tpu.memory_space<hbm>>) target(%arg5 : memref<50x128xi32, #tpu.memory_space<vmem>>) target_semaphore(%run_scoped3A : memref<!tpu.dma_semaphore, #tpu.memory_space<semaphore_mem>>)
      %dma_wait3A = arith.constant 0 : i32
      %dma_wait3A_80 = tpu.memref_slice %arg2[%dma_wait3A, %mul3A_2] : memref<50x4096xi32, #tpu.memory_space<hbm>> -> memref<50x128xi32, #tpu.memory_space<hbm>>
      %dma_wait3A_81 = arith.constant 0 : i32
      %dma_wait3A_82 = tpu.memref_slice %arg2[%dma_wait3A_81, %mul3A_2] : memref<50x4096xi32, #tpu.memory_space<hbm>> -> memref<50x128xi32, #tpu.memory_space<hbm>>
      tpu.wait_dma2 semaphore(%run_scoped3A : memref<!tpu.dma_semaphore, #tpu.memory_space<semaphore_mem>>) src(%dma_wait3A_82 : memref<50x128xi32, #tpu.memory_space<hbm>>) dst(%arg5 : memref<50x128xi32, #tpu.memory_space<vmem>>)
      tpu.yield
    }) : () -> ()
    %dma_start3A = arith.constant 0 : i32
    %dma_start3A_3 = arith.constant 0 : i32
    %dma_start3A_4 = tpu.memref_slice %arg5[%dma_start3A, %dma_start3A_3] : memref<50x128xi32, #tpu.memory_space<vmem>> -> memref<1x64xi32, #tpu.memory_space<vmem>>
    %dma_start3A_5 = tpu.memref_squeeze %dma_start3A_4 : memref<1x64xi32, #tpu.memory_space<vmem>> -> memref<64xi32, #tpu.memory_space<vmem>>
    %dma_start3A_6 = arith.constant 0 : i32
    %dma_start3A_7 = arith.constant 0 : i32
    %dma_start3A_8 = tpu.memref_slice %arg3[%dma_start3A_6, %dma_start3A_7] : memref<100000x128xf32, #tpu.memory_space<hbm>> -> memref<100000x128xf32, #tpu.memory_space<hbm>>
    tpu.enqueue_indirect_dma source(%dma_start3A_8 : memref<100000x128xf32, #tpu.memory_space<hbm>>) target(%arg6 : memref<64x128xf32, #tpu.memory_space<vmem>>) offsets(%dma_start3A_5 : memref<64xi32, #tpu.memory_space<vmem>>) semaphore(%arg16 : memref<!tpu.dma_semaphore, #tpu.memory_space<semaphore_mem>>)
    %dma_start3A_9 = arith.constant 0 : i32
    %dma_start3A_10 = arith.constant 64 : i32
    %dma_start3A_11 = tpu.memref_slice %arg5[%dma_start3A_9, %dma_start3A_10] : memref<50x128xi32, #tpu.memory_space<vmem>> -> memref<1x64xi32, #tpu.memory_space<vmem>>
    %dma_start3A_12 = tpu.memref_squeeze %dma_start3A_11 : memref<1x64xi32, #tpu.memory_space<vmem>> -> memref<64xi32, #tpu.memory_space<vmem>>
    %dma_start3A_13 = arith.constant 0 : i32
    %dma_start3A_14 = arith.constant 0 : i32
    %dma_start3A_15 = tpu.memref_slice %arg3[%dma_start3A_13, %dma_start3A_14] : memref<100000x128xf32, #tpu.memory_space<hbm>> -> memref<100000x128xf32, #tpu.memory_space<hbm>>
    tpu.enqueue_indirect_dma source(%dma_start3A_15 : memref<100000x128xf32, #tpu.memory_space<hbm>>) target(%arg7 : memref<64x128xf32, #tpu.memory_space<vmem>>) offsets(%dma_start3A_12 : memref<64xi32, #tpu.memory_space<vmem>>) semaphore(%arg17 : memref<!tpu.dma_semaphore, #tpu.memory_space<semaphore_mem>>)
    %dma_start3A_16 = arith.constant 1 : i32
    %dma_start3A_17 = arith.constant 0 : i32
    %dma_start3A_18 = tpu.memref_slice %arg5[%dma_start3A_16, %dma_start3A_17] : memref<50x128xi32, #tpu.memory_space<vmem>> -> memref<1x64xi32, #tpu.memory_space<vmem>>
    %dma_start3A_19 = tpu.memref_squeeze %dma_start3A_18 : memref<1x64xi32, #tpu.memory_space<vmem>> -> memref<64xi32, #tpu.memory_space<vmem>>
    %dma_start3A_20 = arith.constant 0 : i32
    %dma_start3A_21 = arith.constant 0 : i32
    %dma_start3A_22 = tpu.memref_slice %arg3[%dma_start3A_20, %dma_start3A_21] : memref<100000x128xf32, #tpu.memory_space<hbm>> -> memref<100000x128xf32, #tpu.memory_space<hbm>>
    tpu.enqueue_indirect_dma source(%dma_start3A_22 : memref<100000x128xf32, #tpu.memory_space<hbm>>) target(%arg8 : memref<64x128xf32, #tpu.memory_space<vmem>>) offsets(%dma_start3A_19 : memref<64xi32, #tpu.memory_space<vmem>>) semaphore(%arg18 : memref<!tpu.dma_semaphore, #tpu.memory_space<semaphore_mem>>)
    %dma_start3A_23 = arith.constant 1 : i32
    %dma_start3A_24 = arith.constant 64 : i32
    %dma_start3A_25 = tpu.memref_slice %arg5[%dma_start3A_23, %dma_start3A_24] : memref<50x128xi32, #tpu.memory_space<vmem>> -> memref<1x64xi32, #tpu.memory_space<vmem>>
    %dma_start3A_26 = tpu.memref_squeeze %dma_start3A_25 : memref<1x64xi32, #tpu.memory_space<vmem>> -> memref<64xi32, #tpu.memory_space<vmem>>
    %dma_start3A_27 = arith.constant 0 : i32
    %dma_start3A_28 = arith.constant 0 : i32
    %dma_start3A_29 = tpu.memref_slice %arg3[%dma_start3A_27, %dma_start3A_28] : memref<100000x128xf32, #tpu.memory_space<hbm>> -> memref<100000x128xf32, #tpu.memory_space<hbm>>
    tpu.enqueue_indirect_dma source(%dma_start3A_29 : memref<100000x128xf32, #tpu.memory_space<hbm>>) target(%arg9 : memref<64x128xf32, #tpu.memory_space<vmem>>) offsets(%dma_start3A_26 : memref<64xi32, #tpu.memory_space<vmem>>) semaphore(%arg19 : memref<!tpu.dma_semaphore, #tpu.memory_space<semaphore_mem>>)
    %dma_start3A_30 = arith.constant 2 : i32
    %dma_start3A_31 = arith.constant 0 : i32
    %dma_start3A_32 = tpu.memref_slice %arg5[%dma_start3A_30, %dma_start3A_31] : memref<50x128xi32, #tpu.memory_space<vmem>> -> memref<1x64xi32, #tpu.memory_space<vmem>>
    %dma_start3A_33 = tpu.memref_squeeze %dma_start3A_32 : memref<1x64xi32, #tpu.memory_space<vmem>> -> memref<64xi32, #tpu.memory_space<vmem>>
    %dma_start3A_34 = arith.constant 0 : i32
    %dma_start3A_35 = arith.constant 0 : i32
    %dma_start3A_36 = tpu.memref_slice %arg3[%dma_start3A_34, %dma_start3A_35] : memref<100000x128xf32, #tpu.memory_space<hbm>> -> memref<100000x128xf32, #tpu.memory_space<hbm>>
    tpu.enqueue_indirect_dma source(%dma_start3A_36 : memref<100000x128xf32, #tpu.memory_space<hbm>>) target(%arg10 : memref<64x128xf32, #tpu.memory_space<vmem>>) offsets(%dma_start3A_33 : memref<64xi32, #tpu.memory_space<vmem>>) semaphore(%arg20 : memref<!tpu.dma_semaphore, #tpu.memory_space<semaphore_mem>>)
    %dma_start3A_37 = arith.constant 2 : i32
    %dma_start3A_38 = arith.constant 64 : i32
    %dma_start3A_39 = tpu.memref_slice %arg5[%dma_start3A_37, %dma_start3A_38] : memref<50x128xi32, #tpu.memory_space<vmem>> -> memref<1x64xi32, #tpu.memory_space<vmem>>
    %dma_start3A_40 = tpu.memref_squeeze %dma_start3A_39 : memref<1x64xi32, #tpu.memory_space<vmem>> -> memref<64xi32, #tpu.memory_space<vmem>>
    %dma_start3A_41 = arith.constant 0 : i32
    %dma_start3A_42 = arith.constant 0 : i32
    %dma_start3A_43 = tpu.memref_slice %arg3[%dma_start3A_41, %dma_start3A_42] : memref<100000x128xf32, #tpu.memory_space<hbm>> -> memref<100000x128xf32, #tpu.memory_space<hbm>>
    tpu.enqueue_indirect_dma source(%dma_start3A_43 : memref<100000x128xf32, #tpu.memory_space<hbm>>) target(%arg11 : memref<64x128xf32, #tpu.memory_space<vmem>>) offsets(%dma_start3A_40 : memref<64xi32, #tpu.memory_space<vmem>>) semaphore(%arg21 : memref<!tpu.dma_semaphore, #tpu.memory_space<semaphore_mem>>)
    %dma_start3A_44 = arith.constant 3 : i32
    %dma_start3A_45 = arith.constant 0 : i32
    %dma_start3A_46 = tpu.memref_slice %arg5[%dma_start3A_44, %dma_start3A_45] : memref<50x128xi32, #tpu.memory_space<vmem>> -> memref<1x64xi32, #tpu.memory_space<vmem>>
    %dma_start3A_47 = tpu.memref_squeeze %dma_start3A_46 : memref<1x64xi32, #tpu.memory_space<vmem>> -> memref<64xi32, #tpu.memory_space<vmem>>
    %dma_start3A_48 = arith.constant 0 : i32
    %dma_start3A_49 = arith.constant 0 : i32
    %dma_start3A_50 = tpu.memref_slice %arg3[%dma_start3A_48, %dma_start3A_49] : memref<100000x128xf32, #tpu.memory_space<hbm>> -> memref<100000x128xf32, #tpu.memory_space<hbm>>
    tpu.enqueue_indirect_dma source(%dma_start3A_50 : memref<100000x128xf32, #tpu.memory_space<hbm>>) target(%arg12 : memref<64x128xf32, #tpu.memory_space<vmem>>) offsets(%dma_start3A_47 : memref<64xi32, #tpu.memory_space<vmem>>) semaphore(%arg22 : memref<!tpu.dma_semaphore, #tpu.memory_space<semaphore_mem>>)
    %dma_start3A_51 = arith.constant 3 : i32
    %dma_start3A_52 = arith.constant 64 : i32
    %dma_start3A_53 = tpu.memref_slice %arg5[%dma_start3A_51, %dma_start3A_52] : memref<50x128xi32, #tpu.memory_space<vmem>> -> memref<1x64xi32, #tpu.memory_space<vmem>>
    %dma_start3A_54 = tpu.memref_squeeze %dma_start3A_53 : memref<1x64xi32, #tpu.memory_space<vmem>> -> memref<64xi32, #tpu.memory_space<vmem>>
    %dma_start3A_55 = arith.constant 0 : i32
    %dma_start3A_56 = arith.constant 0 : i32
    %dma_start3A_57 = tpu.memref_slice %arg3[%dma_start3A_55, %dma_start3A_56] : memref<100000x128xf32, #tpu.memory_space<hbm>> -> memref<100000x128xf32, #tpu.memory_space<hbm>>
    tpu.enqueue_indirect_dma source(%dma_start3A_57 : memref<100000x128xf32, #tpu.memory_space<hbm>>) target(%arg13 : memref<64x128xf32, #tpu.memory_space<vmem>>) offsets(%dma_start3A_54 : memref<64xi32, #tpu.memory_space<vmem>>) semaphore(%arg23 : memref<!tpu.dma_semaphore, #tpu.memory_space<semaphore_mem>>)
    %dma_start3A_58 = arith.constant 4 : i32
    %dma_start3A_59 = arith.constant 0 : i32
    %dma_start3A_60 = tpu.memref_slice %arg5[%dma_start3A_58, %dma_start3A_59] : memref<50x128xi32, #tpu.memory_space<vmem>> -> memref<1x64xi32, #tpu.memory_space<vmem>>
    %dma_start3A_61 = tpu.memref_squeeze %dma_start3A_60 : memref<1x64xi32, #tpu.memory_space<vmem>> -> memref<64xi32, #tpu.memory_space<vmem>>
    %dma_start3A_62 = arith.constant 0 : i32
    %dma_start3A_63 = arith.constant 0 : i32
    %dma_start3A_64 = tpu.memref_slice %arg3[%dma_start3A_62, %dma_start3A_63] : memref<100000x128xf32, #tpu.memory_space<hbm>> -> memref<100000x128xf32, #tpu.memory_space<hbm>>
    tpu.enqueue_indirect_dma source(%dma_start3A_64 : memref<100000x128xf32, #tpu.memory_space<hbm>>) target(%arg14 : memref<64x128xf32, #tpu.memory_space<vmem>>) offsets(%dma_start3A_61 : memref<64xi32, #tpu.memory_space<vmem>>) semaphore(%arg24 : memref<!tpu.dma_semaphore, #tpu.memory_space<semaphore_mem>>)
    %dma_start3A_65 = arith.constant 4 : i32
    %dma_start3A_66 = arith.constant 64 : i32
    %dma_start3A_67 = tpu.memref_slice %arg5[%dma_start3A_65, %dma_start3A_66] : memref<50x128xi32, #tpu.memory_space<vmem>> -> memref<1x64xi32, #tpu.memory_space<vmem>>
    %dma_start3A_68 = tpu.memref_squeeze %dma_start3A_67 : memref<1x64xi32, #tpu.memory_space<vmem>> -> memref<64xi32, #tpu.memory_space<vmem>>
    %dma_start3A_69 = arith.constant 0 : i32
    %dma_start3A_70 = arith.constant 0 : i32
    %dma_start3A_71 = tpu.memref_slice %arg3[%dma_start3A_69, %dma_start3A_70] : memref<100000x128xf32, #tpu.memory_space<hbm>> -> memref<100000x128xf32, #tpu.memory_space<hbm>>
    tpu.enqueue_indirect_dma source(%dma_start3A_71 : memref<100000x128xf32, #tpu.memory_space<hbm>>) target(%arg15 : memref<64x128xf32, #tpu.memory_space<vmem>>) offsets(%dma_start3A_68 : memref<64xi32, #tpu.memory_space<vmem>>) semaphore(%arg25 : memref<!tpu.dma_semaphore, #tpu.memory_space<semaphore_mem>>)
    %scan3A = arith.constant 0 : i32
    %scan3A_72 = arith.constant 10 : i32
    %scan3A_73 = arith.addi %scan3A, %scan3A_72 : i32
    %scan3A_74 = arith.constant 1 : i32
    scf.for %scan3A_76 = %scan3A to %scan3A_73 step %scan3A_74  : i32 {
      %mul3A_77 = arith.constant 10 : i32
      %mul3A_78 = arith.muli %scan3A_76, %mul3A_77 : i32
      %add3A_79 = arith.constant 0 : i32
      %add3A_80 = arith.addi %add3A_79, %mul3A_78 : i32
      %add3A_81 = arith.constant 0 : i32
      %add3A_82 = arith.addi %add3A_80, %add3A_81 : i32
      %jit3A = arith.constant 2 : i32
      %div3A = arith.divsi %add3A_82, %jit3A : i32
      %sign3A = arith.constant 0 : i32
      %sign3A_83 = arith.cmpi sgt, %add3A_82, %sign3A : i32
      %sign3A_84 = arith.extui %sign3A_83 : i1 to i32
      %sign3A_85 = arith.constant 0 : i32
      %sign3A_86 = arith.cmpi slt, %add3A_82, %sign3A_85 : i32
      %sign3A_87 = arith.extui %sign3A_86 : i1 to i32
      %sign3A_88 = arith.subi %sign3A_84, %sign3A_87 : i32
      %sign3A_89 = arith.constant 0 : i32
      %sign3A_90 = arith.cmpi sgt, %jit3A, %sign3A_89 : i32
      %sign3A_91 = arith.extui %sign3A_90 : i1 to i32
      %sign3A_92 = arith.constant 0 : i32
      %sign3A_93 = arith.cmpi slt, %jit3A, %sign3A_92 : i32
      %sign3A_94 = arith.extui %sign3A_93 : i1 to i32
      %sign3A_95 = arith.subi %sign3A_91, %sign3A_94 : i32
      %ne3A = arith.cmpi ne, %sign3A_88, %sign3A_95 : i32
      %rem3A = arith.remsi %add3A_82, %jit3A : i32
      %ne3A_96 = arith.constant 0 : i32
      %ne3A_97 = arith.cmpi ne, %rem3A, %ne3A_96 : i32
      %and3A = arith.andi %ne3A, %ne3A_97 : i1
      %sub3A = arith.constant 1 : i32
      %sub3A_98 = arith.subi %div3A, %sub3A : i32
      %select_n3A = arith.select %and3A, %sub3A_98, %div3A : i32
      %jit3A_99 = arith.constant 2 : i32
      %eq3A = arith.constant 0 : i32
      %eq3A_100 = arith.cmpi eq, %jit3A_99, %eq3A : i32
      %jit3A_101 = arith.constant 1 : i32
      %select_n3A_102 = arith.select %eq3A_100, %jit3A_101, %jit3A_99 : i32
      %rem3A_103 = arith.remsi %add3A_82, %select_n3A_102 : i32
      %ne3A_104 = arith.constant 0 : i32
      %ne3A_105 = arith.cmpi ne, %rem3A_103, %ne3A_104 : i32
      %lt3A = arith.constant 0 : i32
      %lt3A_106 = arith.cmpi slt, %rem3A_103, %lt3A : i32
      %lt3A_107 = arith.constant 0 : i32
      %lt3A_108 = arith.cmpi slt, %select_n3A_102, %lt3A_107 : i32
      %ne3A_109 = arith.xori %lt3A_106, %lt3A_108 : i1
      %and3A_110 = arith.andi %ne3A_109, %ne3A_105 : i1
      %add3A_111 = arith.addi %rem3A_103, %select_n3A_102 : i32
      %select_n3A_112 = arith.select %and3A_110, %add3A_111, %rem3A_103 : i32
      %mul3A_113 = arith.constant 64 : i32
      %mul3A_114 = arith.muli %select_n3A_112, %mul3A_113 : i32
      %dma_wait3A = tpu.memref_slice %arg5[%select_n3A, %mul3A_114] : memref<50x128xi32, #tpu.memory_space<vmem>> -> memref<1x64xi32, #tpu.memory_space<vmem>>
      %dma_wait3A_115 = tpu.memref_squeeze %dma_wait3A : memref<1x64xi32, #tpu.memory_space<vmem>> -> memref<64xi32, #tpu.memory_space<vmem>>
      %dma_wait3A_116 = arith.constant 0 : i32
      %dma_wait3A_117 = arith.constant 0 : i32
      %dma_wait3A_118 = tpu.memref_slice %arg3[%dma_wait3A_116, %dma_wait3A_117] : memref<100000x128xf32, #tpu.memory_space<hbm>> -> memref<100000x128xf32, #tpu.memory_space<hbm>>
      tpu.wait_indirect_dma semaphore(%arg16 : memref<!tpu.dma_semaphore, #tpu.memory_space<semaphore_mem>>) src(%dma_wait3A_118 : memref<100000x128xf32, #tpu.memory_space<hbm>>) dst(%arg6 : memref<64x128xf32, #tpu.memory_space<vmem>>)
      %jit3A_119 = arith.constant 2 : i32
      %div3A_120 = arith.divsi %add3A_82, %jit3A_119 : i32
      %sign3A_121 = arith.constant 0 : i32
      %sign3A_122 = arith.cmpi sgt, %add3A_82, %sign3A_121 : i32
      %sign3A_123 = arith.extui %sign3A_122 : i1 to i32
      %sign3A_124 = arith.constant 0 : i32
      %sign3A_125 = arith.cmpi slt, %add3A_82, %sign3A_124 : i32
      %sign3A_126 = arith.extui %sign3A_125 : i1 to i32
      %sign3A_127 = arith.subi %sign3A_123, %sign3A_126 : i32
      %sign3A_128 = arith.constant 0 : i32
      %sign3A_129 = arith.cmpi sgt, %jit3A_119, %sign3A_128 : i32
      %sign3A_130 = arith.extui %sign3A_129 : i1 to i32
      %sign3A_131 = arith.constant 0 : i32
      %sign3A_132 = arith.cmpi slt, %jit3A_119, %sign3A_131 : i32
      %sign3A_133 = arith.extui %sign3A_132 : i1 to i32
      %sign3A_134 = arith.subi %sign3A_130, %sign3A_133 : i32
      %ne3A_135 = arith.cmpi ne, %sign3A_127, %sign3A_134 : i32
      %rem3A_136 = arith.remsi %add3A_82, %jit3A_119 : i32
      %ne3A_137 = arith.constant 0 : i32
      %ne3A_138 = arith.cmpi ne, %rem3A_136, %ne3A_137 : i32
      %and3A_139 = arith.andi %ne3A_135, %ne3A_138 : i1
      %sub3A_140 = arith.constant 1 : i32
      %sub3A_141 = arith.subi %div3A_120, %sub3A_140 : i32
      %select_n3A_142 = arith.select %and3A_139, %sub3A_141, %div3A_120 : i32
      %jit3A_143 = arith.constant 2 : i32
      %eq3A_144 = arith.constant 0 : i32
      %eq3A_145 = arith.cmpi eq, %jit3A_143, %eq3A_144 : i32
      %jit3A_146 = arith.constant 1 : i32
      %select_n3A_147 = arith.select %eq3A_145, %jit3A_146, %jit3A_143 : i32
      %rem3A_148 = arith.remsi %add3A_82, %select_n3A_147 : i32
      %ne3A_149 = arith.constant 0 : i32
      %ne3A_150 = arith.cmpi ne, %rem3A_148, %ne3A_149 : i32
      %lt3A_151 = arith.constant 0 : i32
      %lt3A_152 = arith.cmpi slt, %rem3A_148, %lt3A_151 : i32
      %lt3A_153 = arith.constant 0 : i32
      %lt3A_154 = arith.cmpi slt, %select_n3A_147, %lt3A_153 : i32
      %ne3A_155 = arith.xori %lt3A_152, %lt3A_154 : i1
      %and3A_156 = arith.andi %ne3A_155, %ne3A_150 : i1
      %add3A_157 = arith.addi %rem3A_148, %select_n3A_147 : i32
      %select_n3A_158 = arith.select %and3A_156, %add3A_157, %rem3A_148 : i32
      %mul3A_159 = arith.constant 64 : i32
      %mul3A_160 = arith.muli %select_n3A_158, %mul3A_159 : i32
      %add3A_161 = arith.addi %mul3A_2, %mul3A_160 : i32
      "tpu.region"() ({
        %run_scoped3A = tpu.sem_alloc : memref<!tpu.dma_semaphore, #tpu.memory_space<semaphore_mem>>
        %dma_start3A_1058 = arith.constant 0 : i32
        %dma_start3A_1059 = tpu.memref_slice %arg4[%select_n3A_142, %add3A_161, %dma_start3A_1058] : memref<50x4096x128xf32, #tpu.memory_space<hbm>> -> memref<1x64x128xf32, #tpu.memory_space<hbm>>
        %dma_start3A_1060 = tpu.memref_squeeze %dma_start3A_1059 : memref<1x64x128xf32, #tpu.memory_space<hbm>> -> memref<64x128xf32, #tpu.memory_space<hbm>>
        %dma_start3A_1061 = arith.constant 0 : i32
        %dma_start3A_1062 = tpu.memref_slice %arg4[%select_n3A_142, %add3A_161, %dma_start3A_1061] : memref<50x4096x128xf32, #tpu.memory_space<hbm>> -> memref<1x64x128xf32, #tpu.memory_space<hbm>>
        %dma_start3A_1063 = tpu.memref_squeeze %dma_start3A_1062 : memref<1x64x128xf32, #tpu.memory_space<hbm>> -> memref<64x128xf32, #tpu.memory_space<hbm>>
        tpu.enqueue_dma source(%arg6 : memref<64x128xf32, #tpu.memory_space<vmem>>) target(%dma_start3A_1063 : memref<64x128xf32, #tpu.memory_space<hbm>>) target_semaphore(%run_scoped3A : memref<!tpu.dma_semaphore, #tpu.memory_space<semaphore_mem>>)
        %dma_wait3A_1064 = arith.constant 0 : i32
        %dma_wait3A_1065 = tpu.memref_slice %arg4[%select_n3A_142, %add3A_161, %dma_wait3A_1064] : memref<50x4096x128xf32, #tpu.memory_space<hbm>> -> memref<1x64x128xf32, #tpu.memory_space<hbm>>
        %dma_wait3A_1066 = tpu.memref_squeeze %dma_wait3A_1065 : memref<1x64x128xf32, #tpu.memory_space<hbm>> -> memref<64x128xf32, #tpu.memory_space<hbm>>
        %dma_wait3A_1067 = arith.constant 0 : i32
        %dma_wait3A_1068 = tpu.memref_slice %arg4[%select_n3A_142, %add3A_161, %dma_wait3A_1067] : memref<50x4096x128xf32, #tpu.memory_space<hbm>> -> memref<1x64x128xf32, #tpu.memory_space<hbm>>
        %dma_wait3A_1069 = tpu.memref_squeeze %dma_wait3A_1068 : memref<1x64x128xf32, #tpu.memory_space<hbm>> -> memref<64x128xf32, #tpu.memory_space<hbm>>
        tpu.wait_dma2 semaphore(%run_scoped3A : memref<!tpu.dma_semaphore, #tpu.memory_space<semaphore_mem>>) src(%arg6 : memref<64x128xf32, #tpu.memory_space<vmem>>) dst(%dma_wait3A_1069 : memref<64x128xf32, #tpu.memory_space<hbm>>)
        tpu.yield
      }) : () -> ()
      %add3A_162 = arith.constant 10 : i32
      %add3A_163 = arith.addi %add3A_82, %add3A_162 : i32
      %lt3A_164 = arith.constant 100 : i32
      %lt3A_165 = arith.cmpi slt, %add3A_163, %lt3A_164 : i32
      %convert_element_type3A = arith.extui %lt3A_165 : i1 to i32
      %cond3A = arith.constant 0 : i32
      %cond3A_166 = arith.cmpi ne, %convert_element_type3A, %cond3A : i32
      scf.if %cond3A_166 {
        %add3A_1058 = arith.constant 10 : i32
        %add3A_1059 = arith.addi %add3A_82, %add3A_1058 : i32
        %jit3A_1060 = arith.constant 2 : i32
        %div3A_1061 = arith.divsi %add3A_1059, %jit3A_1060 : i32
        %sign3A_1062 = arith.constant 0 : i32
        %sign3A_1063 = arith.cmpi sgt, %add3A_1059, %sign3A_1062 : i32
        %sign3A_1064 = arith.extui %sign3A_1063 : i1 to i32
        %sign3A_1065 = arith.constant 0 : i32
        %sign3A_1066 = arith.cmpi slt, %add3A_1059, %sign3A_1065 : i32
        %sign3A_1067 = arith.extui %sign3A_1066 : i1 to i32
        %sign3A_1068 = arith.subi %sign3A_1064, %sign3A_1067 : i32
        %sign3A_1069 = arith.constant 0 : i32
        %sign3A_1070 = arith.cmpi sgt, %jit3A_1060, %sign3A_1069 : i32
        %sign3A_1071 = arith.extui %sign3A_1070 : i1 to i32
        %sign3A_1072 = arith.constant 0 : i32
        %sign3A_1073 = arith.cmpi slt, %jit3A_1060, %sign3A_1072 : i32
        %sign3A_1074 = arith.extui %sign3A_1073 : i1 to i32
        %sign3A_1075 = arith.subi %sign3A_1071, %sign3A_1074 : i32
        %ne3A_1076 = arith.cmpi ne, %sign3A_1068, %sign3A_1075 : i32
        %rem3A_1077 = arith.remsi %add3A_1059, %jit3A_1060 : i32
        %ne3A_1078 = arith.constant 0 : i32
        %ne3A_1079 = arith.cmpi ne, %rem3A_1077, %ne3A_1078 : i32
        %and3A_1080 = arith.andi %ne3A_1076, %ne3A_1079 : i1
        %sub3A_1081 = arith.constant 1 : i32
        %sub3A_1082 = arith.subi %div3A_1061, %sub3A_1081 : i32
        %select_n3A_1083 = arith.select %and3A_1080, %sub3A_1082, %div3A_1061 : i32
        %jit3A_1084 = arith.constant 2 : i32
        %eq3A_1085 = arith.constant 0 : i32
        %eq3A_1086 = arith.cmpi eq, %jit3A_1084, %eq3A_1085 : i32
        %jit3A_1087 = arith.constant 1 : i32
        %select_n3A_1088 = arith.select %eq3A_1086, %jit3A_1087, %jit3A_1084 : i32
        %rem3A_1089 = arith.remsi %add3A_1059, %select_n3A_1088 : i32
        %ne3A_1090 = arith.constant 0 : i32
        %ne3A_1091 = arith.cmpi ne, %rem3A_1089, %ne3A_1090 : i32
        %lt3A_1092 = arith.constant 0 : i32
        %lt3A_1093 = arith.cmpi slt, %rem3A_1089, %lt3A_1092 : i32
        %lt3A_1094 = arith.constant 0 : i32
        %lt3A_1095 = arith.cmpi slt, %select_n3A_1088, %lt3A_1094 : i32
        %ne3A_1096 = arith.xori %lt3A_1093, %lt3A_1095 : i1
        %and3A_1097 = arith.andi %ne3A_1096, %ne3A_1091 : i1
        %add3A_1098 = arith.addi %rem3A_1089, %select_n3A_1088 : i32
        %select_n3A_1099 = arith.select %and3A_1097, %add3A_1098, %rem3A_1089 : i32
        %mul3A_1100 = arith.constant 64 : i32
        %mul3A_1101 = arith.muli %select_n3A_1099, %mul3A_1100 : i32
        %dma_start3A_1102 = tpu.memref_slice %arg5[%select_n3A_1083, %mul3A_1101] : memref<50x128xi32, #tpu.memory_space<vmem>> -> memref<1x64xi32, #tpu.memory_space<vmem>>
        %dma_start3A_1103 = tpu.memref_squeeze %dma_start3A_1102 : memref<1x64xi32, #tpu.memory_space<vmem>> -> memref<64xi32, #tpu.memory_space<vmem>>
        %dma_start3A_1104 = arith.constant 0 : i32
        %dma_start3A_1105 = arith.constant 0 : i32
        %dma_start3A_1106 = tpu.memref_slice %arg3[%dma_start3A_1104, %dma_start3A_1105] : memref<100000x128xf32, #tpu.memory_space<hbm>> -> memref<100000x128xf32, #tpu.memory_space<hbm>>
        tpu.enqueue_indirect_dma source(%dma_start3A_1106 : memref<100000x128xf32, #tpu.memory_space<hbm>>) target(%arg6 : memref<64x128xf32, #tpu.memory_space<vmem>>) offsets(%dma_start3A_1103 : memref<64xi32, #tpu.memory_space<vmem>>) semaphore(%arg16 : memref<!tpu.dma_semaphore, #tpu.memory_space<semaphore_mem>>)
      } else {
      }
      %add3A_167 = arith.constant 1 : i32
      %add3A_168 = arith.addi %add3A_80, %add3A_167 : i32
      %jit3A_169 = arith.constant 2 : i32
      %div3A_170 = arith.divsi %add3A_168, %jit3A_169 : i32
      %sign3A_171 = arith.constant 0 : i32
      %sign3A_172 = arith.cmpi sgt, %add3A_168, %sign3A_171 : i32
      %sign3A_173 = arith.extui %sign3A_172 : i1 to i32
      %sign3A_174 = arith.constant 0 : i32
      %sign3A_175 = arith.cmpi slt, %add3A_168, %sign3A_174 : i32
      %sign3A_176 = arith.extui %sign3A_175 : i1 to i32
      %sign3A_177 = arith.subi %sign3A_173, %sign3A_176 : i32
      %sign3A_178 = arith.constant 0 : i32
      %sign3A_179 = arith.cmpi sgt, %jit3A_169, %sign3A_178 : i32
      %sign3A_180 = arith.extui %sign3A_179 : i1 to i32
      %sign3A_181 = arith.constant 0 : i32
      %sign3A_182 = arith.cmpi slt, %jit3A_169, %sign3A_181 : i32
      %sign3A_183 = arith.extui %sign3A_182 : i1 to i32
      %sign3A_184 = arith.subi %sign3A_180, %sign3A_183 : i32
      %ne3A_185 = arith.cmpi ne, %sign3A_177, %sign3A_184 : i32
      %rem3A_186 = arith.remsi %add3A_168, %jit3A_169 : i32
      %ne3A_187 = arith.constant 0 : i32
      %ne3A_188 = arith.cmpi ne, %rem3A_186, %ne3A_187 : i32
      %and3A_189 = arith.andi %ne3A_185, %ne3A_188 : i1
      %sub3A_190 = arith.constant 1 : i32
      %sub3A_191 = arith.subi %div3A_170, %sub3A_190 : i32
      %select_n3A_192 = arith.select %and3A_189, %sub3A_191, %div3A_170 : i32
      %jit3A_193 = arith.constant 2 : i32
      %eq3A_194 = arith.constant 0 : i32
      %eq3A_195 = arith.cmpi eq, %jit3A_193, %eq3A_194 : i32
      %jit3A_196 = arith.constant 1 : i32
      %select_n3A_197 = arith.select %eq3A_195, %jit3A_196, %jit3A_193 : i32
      %rem3A_198 = arith.remsi %add3A_168, %select_n3A_197 : i32
      %ne3A_199 = arith.constant 0 : i32
      %ne3A_200 = arith.cmpi ne, %rem3A_198, %ne3A_199 : i32
      %lt3A_201 = arith.constant 0 : i32
      %lt3A_202 = arith.cmpi slt, %rem3A_198, %lt3A_201 : i32
      %lt3A_203 = arith.constant 0 : i32
      %lt3A_204 = arith.cmpi slt, %select_n3A_197, %lt3A_203 : i32
      %ne3A_205 = arith.xori %lt3A_202, %lt3A_204 : i1
      %and3A_206 = arith.andi %ne3A_205, %ne3A_200 : i1
      %add3A_207 = arith.addi %rem3A_198, %select_n3A_197 : i32
      %select_n3A_208 = arith.select %and3A_206, %add3A_207, %rem3A_198 : i32
      %mul3A_209 = arith.constant 64 : i32
      %mul3A_210 = arith.muli %select_n3A_208, %mul3A_209 : i32
      %dma_wait3A_211 = tpu.memref_slice %arg5[%select_n3A_192, %mul3A_210] : memref<50x128xi32, #tpu.memory_space<vmem>> -> memref<1x64xi32, #tpu.memory_space<vmem>>
      %dma_wait3A_212 = tpu.memref_squeeze %dma_wait3A_211 : memref<1x64xi32, #tpu.memory_space<vmem>> -> memref<64xi32, #tpu.memory_space<vmem>>
      %dma_wait3A_213 = arith.constant 0 : i32
      %dma_wait3A_214 = arith.constant 0 : i32
      %dma_wait3A_215 = tpu.memref_slice %arg3[%dma_wait3A_213, %dma_wait3A_214] : memref<100000x128xf32, #tpu.memory_space<hbm>> -> memref<100000x128xf32, #tpu.memory_space<hbm>>
      tpu.wait_indirect_dma semaphore(%arg17 : memref<!tpu.dma_semaphore, #tpu.memory_space<semaphore_mem>>) src(%dma_wait3A_215 : memref<100000x128xf32, #tpu.memory_space<hbm>>) dst(%arg7 : memref<64x128xf32, #tpu.memory_space<vmem>>)
      %jit3A_216 = arith.constant 2 : i32
      %div3A_217 = arith.divsi %add3A_168, %jit3A_216 : i32
      %sign3A_218 = arith.constant 0 : i32
      %sign3A_219 = arith.cmpi sgt, %add3A_168, %sign3A_218 : i32
      %sign3A_220 = arith.extui %sign3A_219 : i1 to i32
      %sign3A_221 = arith.constant 0 : i32
      %sign3A_222 = arith.cmpi slt, %add3A_168, %sign3A_221 : i32
      %sign3A_223 = arith.extui %sign3A_222 : i1 to i32
      %sign3A_224 = arith.subi %sign3A_220, %sign3A_223 : i32
      %sign3A_225 = arith.constant 0 : i32
      %sign3A_226 = arith.cmpi sgt, %jit3A_216, %sign3A_225 : i32
      %sign3A_227 = arith.extui %sign3A_226 : i1 to i32
      %sign3A_228 = arith.constant 0 : i32
      %sign3A_229 = arith.cmpi slt, %jit3A_216, %sign3A_228 : i32
      %sign3A_230 = arith.extui %sign3A_229 : i1 to i32
      %sign3A_231 = arith.subi %sign3A_227, %sign3A_230 : i32
      %ne3A_232 = arith.cmpi ne, %sign3A_224, %sign3A_231 : i32
      %rem3A_233 = arith.remsi %add3A_168, %jit3A_216 : i32
      %ne3A_234 = arith.constant 0 : i32
      %ne3A_235 = arith.cmpi ne, %rem3A_233, %ne3A_234 : i32
      %and3A_236 = arith.andi %ne3A_232, %ne3A_235 : i1
      %sub3A_237 = arith.constant 1 : i32
      %sub3A_238 = arith.subi %div3A_217, %sub3A_237 : i32
      %select_n3A_239 = arith.select %and3A_236, %sub3A_238, %div3A_217 : i32
      %jit3A_240 = arith.constant 2 : i32
      %eq3A_241 = arith.constant 0 : i32
      %eq3A_242 = arith.cmpi eq, %jit3A_240, %eq3A_241 : i32
      %jit3A_243 = arith.constant 1 : i32
      %select_n3A_244 = arith.select %eq3A_242, %jit3A_243, %jit3A_240 : i32
      %rem3A_245 = arith.remsi %add3A_168, %select_n3A_244 : i32
      %ne3A_246 = arith.constant 0 : i32
      %ne3A_247 = arith.cmpi ne, %rem3A_245, %ne3A_246 : i32
      %lt3A_248 = arith.constant 0 : i32
      %lt3A_249 = arith.cmpi slt, %rem3A_245, %lt3A_248 : i32
      %lt3A_250 = arith.constant 0 : i32
      %lt3A_251 = arith.cmpi slt, %select_n3A_244, %lt3A_250 : i32
      %ne3A_252 = arith.xori %lt3A_249, %lt3A_251 : i1
      %and3A_253 = arith.andi %ne3A_252, %ne3A_247 : i1
      %add3A_254 = arith.addi %rem3A_245, %select_n3A_244 : i32
      %select_n3A_255 = arith.select %and3A_253, %add3A_254, %rem3A_245 : i32
      %mul3A_256 = arith.constant 64 : i32
      %mul3A_257 = arith.muli %select_n3A_255, %mul3A_256 : i32
      %add3A_258 = arith.addi %mul3A_2, %mul3A_257 : i32
      "tpu.region"() ({
        %run_scoped3A = tpu.sem_alloc : memref<!tpu.dma_semaphore, #tpu.memory_space<semaphore_mem>>
        %dma_start3A_1058 = arith.constant 0 : i32
        %dma_start3A_1059 = tpu.memref_slice %arg4[%select_n3A_239, %add3A_258, %dma_start3A_1058] : memref<50x4096x128xf32, #tpu.memory_space<hbm>> -> memref<1x64x128xf32, #tpu.memory_space<hbm>>
        %dma_start3A_1060 = tpu.memref_squeeze %dma_start3A_1059 : memref<1x64x128xf32, #tpu.memory_space<hbm>> -> memref<64x128xf32, #tpu.memory_space<hbm>>
        %dma_start3A_1061 = arith.constant 0 : i32
        %dma_start3A_1062 = tpu.memref_slice %arg4[%select_n3A_239, %add3A_258, %dma_start3A_1061] : memref<50x4096x128xf32, #tpu.memory_space<hbm>> -> memref<1x64x128xf32, #tpu.memory_space<hbm>>
        %dma_start3A_1063 = tpu.memref_squeeze %dma_start3A_1062 : memref<1x64x128xf32, #tpu.memory_space<hbm>> -> memref<64x128xf32, #tpu.memory_space<hbm>>
        tpu.enqueue_dma source(%arg7 : memref<64x128xf32, #tpu.memory_space<vmem>>) target(%dma_start3A_1063 : memref<64x128xf32, #tpu.memory_space<hbm>>) target_semaphore(%run_scoped3A : memref<!tpu.dma_semaphore, #tpu.memory_space<semaphore_mem>>)
        %dma_wait3A_1064 = arith.constant 0 : i32
        %dma_wait3A_1065 = tpu.memref_slice %arg4[%select_n3A_239, %add3A_258, %dma_wait3A_1064] : memref<50x4096x128xf32, #tpu.memory_space<hbm>> -> memref<1x64x128xf32, #tpu.memory_space<hbm>>
        %dma_wait3A_1066 = tpu.memref_squeeze %dma_wait3A_1065 : memref<1x64x128xf32, #tpu.memory_space<hbm>> -> memref<64x128xf32, #tpu.memory_space<hbm>>
        %dma_wait3A_1067 = arith.constant 0 : i32
        %dma_wait3A_1068 = tpu.memref_slice %arg4[%select_n3A_239, %add3A_258, %dma_wait3A_1067] : memref<50x4096x128xf32, #tpu.memory_space<hbm>> -> memref<1x64x128xf32, #tpu.memory_space<hbm>>
        %dma_wait3A_1069 = tpu.memref_squeeze %dma_wait3A_1068 : memref<1x64x128xf32, #tpu.memory_space<hbm>> -> memref<64x128xf32, #tpu.memory_space<hbm>>
        tpu.wait_dma2 semaphore(%run_scoped3A : memref<!tpu.dma_semaphore, #tpu.memory_space<semaphore_mem>>) src(%arg7 : memref<64x128xf32, #tpu.memory_space<vmem>>) dst(%dma_wait3A_1069 : memref<64x128xf32, #tpu.memory_space<hbm>>)
        tpu.yield
      }) : () -> ()
      %add3A_259 = arith.constant 10 : i32
      %add3A_260 = arith.addi %add3A_168, %add3A_259 : i32
      %lt3A_261 = arith.constant 100 : i32
      %lt3A_262 = arith.cmpi slt, %add3A_260, %lt3A_261 : i32
      %convert_element_type3A_263 = arith.extui %lt3A_262 : i1 to i32
      %cond3A_264 = arith.constant 0 : i32
      %cond3A_265 = arith.cmpi ne, %convert_element_type3A_263, %cond3A_264 : i32
      scf.if %cond3A_265 {
        %add3A_1058 = arith.constant 10 : i32
        %add3A_1059 = arith.addi %add3A_168, %add3A_1058 : i32
        %jit3A_1060 = arith.constant 2 : i32
        %div3A_1061 = arith.divsi %add3A_1059, %jit3A_1060 : i32
        %sign3A_1062 = arith.constant 0 : i32
        %sign3A_1063 = arith.cmpi sgt, %add3A_1059, %sign3A_1062 : i32
        %sign3A_1064 = arith.extui %sign3A_1063 : i1 to i32
        %sign3A_1065 = arith.constant 0 : i32
        %sign3A_1066 = arith.cmpi slt, %add3A_1059, %sign3A_1065 : i32
        %sign3A_1067 = arith.extui %sign3A_1066 : i1 to i32
        %sign3A_1068 = arith.subi %sign3A_1064, %sign3A_1067 : i32
        %sign3A_1069 = arith.constant 0 : i32
        %sign3A_1070 = arith.cmpi sgt, %jit3A_1060, %sign3A_1069 : i32
        %sign3A_1071 = arith.extui %sign3A_1070 : i1 to i32
        %sign3A_1072 = arith.constant 0 : i32
        %sign3A_1073 = arith.cmpi slt, %jit3A_1060, %sign3A_1072 : i32
        %sign3A_1074 = arith.extui %sign3A_1073 : i1 to i32
        %sign3A_1075 = arith.subi %sign3A_1071, %sign3A_1074 : i32
        %ne3A_1076 = arith.cmpi ne, %sign3A_1068, %sign3A_1075 : i32
        %rem3A_1077 = arith.remsi %add3A_1059, %jit3A_1060 : i32
        %ne3A_1078 = arith.constant 0 : i32
        %ne3A_1079 = arith.cmpi ne, %rem3A_1077, %ne3A_1078 : i32
        %and3A_1080 = arith.andi %ne3A_1076, %ne3A_1079 : i1
        %sub3A_1081 = arith.constant 1 : i32
        %sub3A_1082 = arith.subi %div3A_1061, %sub3A_1081 : i32
        %select_n3A_1083 = arith.select %and3A_1080, %sub3A_1082, %div3A_1061 : i32
        %jit3A_1084 = arith.constant 2 : i32
        %eq3A_1085 = arith.constant 0 : i32
        %eq3A_1086 = arith.cmpi eq, %jit3A_1084, %eq3A_1085 : i32
        %jit3A_1087 = arith.constant 1 : i32
        %select_n3A_1088 = arith.select %eq3A_1086, %jit3A_1087, %jit3A_1084 : i32
        %rem3A_1089 = arith.remsi %add3A_1059, %select_n3A_1088 : i32
        %ne3A_1090 = arith.constant 0 : i32
        %ne3A_1091 = arith.cmpi ne, %rem3A_1089, %ne3A_1090 : i32
        %lt3A_1092 = arith.constant 0 : i32
        %lt3A_1093 = arith.cmpi slt, %rem3A_1089, %lt3A_1092 : i32
        %lt3A_1094 = arith.constant 0 : i32
        %lt3A_1095 = arith.cmpi slt, %select_n3A_1088, %lt3A_1094 : i32
        %ne3A_1096 = arith.xori %lt3A_1093, %lt3A_1095 : i1
        %and3A_1097 = arith.andi %ne3A_1096, %ne3A_1091 : i1
        %add3A_1098 = arith.addi %rem3A_1089, %select_n3A_1088 : i32
        %select_n3A_1099 = arith.select %and3A_1097, %add3A_1098, %rem3A_1089 : i32
        %mul3A_1100 = arith.constant 64 : i32
        %mul3A_1101 = arith.muli %select_n3A_1099, %mul3A_1100 : i32
        %dma_start3A_1102 = tpu.memref_slice %arg5[%select_n3A_1083, %mul3A_1101] : memref<50x128xi32, #tpu.memory_space<vmem>> -> memref<1x64xi32, #tpu.memory_space<vmem>>
        %dma_start3A_1103 = tpu.memref_squeeze %dma_start3A_1102 : memref<1x64xi32, #tpu.memory_space<vmem>> -> memref<64xi32, #tpu.memory_space<vmem>>
        %dma_start3A_1104 = arith.constant 0 : i32
        %dma_start3A_1105 = arith.constant 0 : i32
        %dma_start3A_1106 = tpu.memref_slice %arg3[%dma_start3A_1104, %dma_start3A_1105] : memref<100000x128xf32, #tpu.memory_space<hbm>> -> memref<100000x128xf32, #tpu.memory_space<hbm>>
        tpu.enqueue_indirect_dma source(%dma_start3A_1106 : memref<100000x128xf32, #tpu.memory_space<hbm>>) target(%arg7 : memref<64x128xf32, #tpu.memory_space<vmem>>) offsets(%dma_start3A_1103 : memref<64xi32, #tpu.memory_space<vmem>>) semaphore(%arg17 : memref<!tpu.dma_semaphore, #tpu.memory_space<semaphore_mem>>)
      } else {
      }
      %add3A_266 = arith.constant 2 : i32
      %add3A_267 = arith.addi %add3A_80, %add3A_266 : i32
      %jit3A_268 = arith.constant 2 : i32
      %div3A_269 = arith.divsi %add3A_267, %jit3A_268 : i32
      %sign3A_270 = arith.constant 0 : i32
      %sign3A_271 = arith.cmpi sgt, %add3A_267, %sign3A_270 : i32
      %sign3A_272 = arith.extui %sign3A_271 : i1 to i32
      %sign3A_273 = arith.constant 0 : i32
      %sign3A_274 = arith.cmpi slt, %add3A_267, %sign3A_273 : i32
      %sign3A_275 = arith.extui %sign3A_274 : i1 to i32
      %sign3A_276 = arith.subi %sign3A_272, %sign3A_275 : i32
      %sign3A_277 = arith.constant 0 : i32
      %sign3A_278 = arith.cmpi sgt, %jit3A_268, %sign3A_277 : i32
      %sign3A_279 = arith.extui %sign3A_278 : i1 to i32
      %sign3A_280 = arith.constant 0 : i32
      %sign3A_281 = arith.cmpi slt, %jit3A_268, %sign3A_280 : i32
      %sign3A_282 = arith.extui %sign3A_281 : i1 to i32
      %sign3A_283 = arith.subi %sign3A_279, %sign3A_282 : i32
      %ne3A_284 = arith.cmpi ne, %sign3A_276, %sign3A_283 : i32
      %rem3A_285 = arith.remsi %add3A_267, %jit3A_268 : i32
      %ne3A_286 = arith.constant 0 : i32
      %ne3A_287 = arith.cmpi ne, %rem3A_285, %ne3A_286 : i32
      %and3A_288 = arith.andi %ne3A_284, %ne3A_287 : i1
      %sub3A_289 = arith.constant 1 : i32
      %sub3A_290 = arith.subi %div3A_269, %sub3A_289 : i32
      %select_n3A_291 = arith.select %and3A_288, %sub3A_290, %div3A_269 : i32
      %jit3A_292 = arith.constant 2 : i32
      %eq3A_293 = arith.constant 0 : i32
      %eq3A_294 = arith.cmpi eq, %jit3A_292, %eq3A_293 : i32
      %jit3A_295 = arith.constant 1 : i32
      %select_n3A_296 = arith.select %eq3A_294, %jit3A_295, %jit3A_292 : i32
      %rem3A_297 = arith.remsi %add3A_267, %select_n3A_296 : i32
      %ne3A_298 = arith.constant 0 : i32
      %ne3A_299 = arith.cmpi ne, %rem3A_297, %ne3A_298 : i32
      %lt3A_300 = arith.constant 0 : i32
      %lt3A_301 = arith.cmpi slt, %rem3A_297, %lt3A_300 : i32
      %lt3A_302 = arith.constant 0 : i32
      %lt3A_303 = arith.cmpi slt, %select_n3A_296, %lt3A_302 : i32
      %ne3A_304 = arith.xori %lt3A_301, %lt3A_303 : i1
      %and3A_305 = arith.andi %ne3A_304, %ne3A_299 : i1
      %add3A_306 = arith.addi %rem3A_297, %select_n3A_296 : i32
      %select_n3A_307 = arith.select %and3A_305, %add3A_306, %rem3A_297 : i32
      %mul3A_308 = arith.constant 64 : i32
      %mul3A_309 = arith.muli %select_n3A_307, %mul3A_308 : i32
      %dma_wait3A_310 = tpu.memref_slice %arg5[%select_n3A_291, %mul3A_309] : memref<50x128xi32, #tpu.memory_space<vmem>> -> memref<1x64xi32, #tpu.memory_space<vmem>>
      %dma_wait3A_311 = tpu.memref_squeeze %dma_wait3A_310 : memref<1x64xi32, #tpu.memory_space<vmem>> -> memref<64xi32, #tpu.memory_space<vmem>>
      %dma_wait3A_312 = arith.constant 0 : i32
      %dma_wait3A_313 = arith.constant 0 : i32
      %dma_wait3A_314 = tpu.memref_slice %arg3[%dma_wait3A_312, %dma_wait3A_313] : memref<100000x128xf32, #tpu.memory_space<hbm>> -> memref<100000x128xf32, #tpu.memory_space<hbm>>
      tpu.wait_indirect_dma semaphore(%arg18 : memref<!tpu.dma_semaphore, #tpu.memory_space<semaphore_mem>>) src(%dma_wait3A_314 : memref<100000x128xf32, #tpu.memory_space<hbm>>) dst(%arg8 : memref<64x128xf32, #tpu.memory_space<vmem>>)
      %jit3A_315 = arith.constant 2 : i32
      %div3A_316 = arith.divsi %add3A_267, %jit3A_315 : i32
      %sign3A_317 = arith.constant 0 : i32
      %sign3A_318 = arith.cmpi sgt, %add3A_267, %sign3A_317 : i32
      %sign3A_319 = arith.extui %sign3A_318 : i1 to i32
      %sign3A_320 = arith.constant 0 : i32
      %sign3A_321 = arith.cmpi slt, %add3A_267, %sign3A_320 : i32
      %sign3A_322 = arith.extui %sign3A_321 : i1 to i32
      %sign3A_323 = arith.subi %sign3A_319, %sign3A_322 : i32
      %sign3A_324 = arith.constant 0 : i32
      %sign3A_325 = arith.cmpi sgt, %jit3A_315, %sign3A_324 : i32
      %sign3A_326 = arith.extui %sign3A_325 : i1 to i32
      %sign3A_327 = arith.constant 0 : i32
      %sign3A_328 = arith.cmpi slt, %jit3A_315, %sign3A_327 : i32
      %sign3A_329 = arith.extui %sign3A_328 : i1 to i32
      %sign3A_330 = arith.subi %sign3A_326, %sign3A_329 : i32
      %ne3A_331 = arith.cmpi ne, %sign3A_323, %sign3A_330 : i32
      %rem3A_332 = arith.remsi %add3A_267, %jit3A_315 : i32
      %ne3A_333 = arith.constant 0 : i32
      %ne3A_334 = arith.cmpi ne, %rem3A_332, %ne3A_333 : i32
      %and3A_335 = arith.andi %ne3A_331, %ne3A_334 : i1
      %sub3A_336 = arith.constant 1 : i32
      %sub3A_337 = arith.subi %div3A_316, %sub3A_336 : i32
      %select_n3A_338 = arith.select %and3A_335, %sub3A_337, %div3A_316 : i32
      %jit3A_339 = arith.constant 2 : i32
      %eq3A_340 = arith.constant 0 : i32
      %eq3A_341 = arith.cmpi eq, %jit3A_339, %eq3A_340 : i32
      %jit3A_342 = arith.constant 1 : i32
      %select_n3A_343 = arith.select %eq3A_341, %jit3A_342, %jit3A_339 : i32
      %rem3A_344 = arith.remsi %add3A_267, %select_n3A_343 : i32
      %ne3A_345 = arith.constant 0 : i32
      %ne3A_346 = arith.cmpi ne, %rem3A_344, %ne3A_345 : i32
      %lt3A_347 = arith.constant 0 : i32
      %lt3A_348 = arith.cmpi slt, %rem3A_344, %lt3A_347 : i32
      %lt3A_349 = arith.constant 0 : i32
      %lt3A_350 = arith.cmpi slt, %select_n3A_343, %lt3A_349 : i32
      %ne3A_351 = arith.xori %lt3A_348, %lt3A_350 : i1
      %and3A_352 = arith.andi %ne3A_351, %ne3A_346 : i1
      %add3A_353 = arith.addi %rem3A_344, %select_n3A_343 : i32
      %select_n3A_354 = arith.select %and3A_352, %add3A_353, %rem3A_344 : i32
      %mul3A_355 = arith.constant 64 : i32
      %mul3A_356 = arith.muli %select_n3A_354, %mul3A_355 : i32
      %add3A_357 = arith.addi %mul3A_2, %mul3A_356 : i32
      "tpu.region"() ({
        %run_scoped3A = tpu.sem_alloc : memref<!tpu.dma_semaphore, #tpu.memory_space<semaphore_mem>>
        %dma_start3A_1058 = arith.constant 0 : i32
        %dma_start3A_1059 = tpu.memref_slice %arg4[%select_n3A_338, %add3A_357, %dma_start3A_1058] : memref<50x4096x128xf32, #tpu.memory_space<hbm>> -> memref<1x64x128xf32, #tpu.memory_space<hbm>>
        %dma_start3A_1060 = tpu.memref_squeeze %dma_start3A_1059 : memref<1x64x128xf32, #tpu.memory_space<hbm>> -> memref<64x128xf32, #tpu.memory_space<hbm>>
        %dma_start3A_1061 = arith.constant 0 : i32
        %dma_start3A_1062 = tpu.memref_slice %arg4[%select_n3A_338, %add3A_357, %dma_start3A_1061] : memref<50x4096x128xf32, #tpu.memory_space<hbm>> -> memref<1x64x128xf32, #tpu.memory_space<hbm>>
        %dma_start3A_1063 = tpu.memref_squeeze %dma_start3A_1062 : memref<1x64x128xf32, #tpu.memory_space<hbm>> -> memref<64x128xf32, #tpu.memory_space<hbm>>
        tpu.enqueue_dma source(%arg8 : memref<64x128xf32, #tpu.memory_space<vmem>>) target(%dma_start3A_1063 : memref<64x128xf32, #tpu.memory_space<hbm>>) target_semaphore(%run_scoped3A : memref<!tpu.dma_semaphore, #tpu.memory_space<semaphore_mem>>)
        %dma_wait3A_1064 = arith.constant 0 : i32
        %dma_wait3A_1065 = tpu.memref_slice %arg4[%select_n3A_338, %add3A_357, %dma_wait3A_1064] : memref<50x4096x128xf32, #tpu.memory_space<hbm>> -> memref<1x64x128xf32, #tpu.memory_space<hbm>>
        %dma_wait3A_1066 = tpu.memref_squeeze %dma_wait3A_1065 : memref<1x64x128xf32, #tpu.memory_space<hbm>> -> memref<64x128xf32, #tpu.memory_space<hbm>>
        %dma_wait3A_1067 = arith.constant 0 : i32
        %dma_wait3A_1068 = tpu.memref_slice %arg4[%select_n3A_338, %add3A_357, %dma_wait3A_1067] : memref<50x4096x128xf32, #tpu.memory_space<hbm>> -> memref<1x64x128xf32, #tpu.memory_space<hbm>>
        %dma_wait3A_1069 = tpu.memref_squeeze %dma_wait3A_1068 : memref<1x64x128xf32, #tpu.memory_space<hbm>> -> memref<64x128xf32, #tpu.memory_space<hbm>>
        tpu.wait_dma2 semaphore(%run_scoped3A : memref<!tpu.dma_semaphore, #tpu.memory_space<semaphore_mem>>) src(%arg8 : memref<64x128xf32, #tpu.memory_space<vmem>>) dst(%dma_wait3A_1069 : memref<64x128xf32, #tpu.memory_space<hbm>>)
        tpu.yield
      }) : () -> ()
      %add3A_358 = arith.constant 10 : i32
      %add3A_359 = arith.addi %add3A_267, %add3A_358 : i32
      %lt3A_360 = arith.constant 100 : i32
      %lt3A_361 = arith.cmpi slt, %add3A_359, %lt3A_360 : i32
      %convert_element_type3A_362 = arith.extui %lt3A_361 : i1 to i32
      %cond3A_363 = arith.constant 0 : i32
      %cond3A_364 = arith.cmpi ne, %convert_element_type3A_362, %cond3A_363 : i32
      scf.if %cond3A_364 {
        %add3A_1058 = arith.constant 10 : i32
        %add3A_1059 = arith.addi %add3A_267, %add3A_1058 : i32
        %jit3A_1060 = arith.constant 2 : i32
        %div3A_1061 = arith.divsi %add3A_1059, %jit3A_1060 : i32
        %sign3A_1062 = arith.constant 0 : i32
        %sign3A_1063 = arith.cmpi sgt, %add3A_1059, %sign3A_1062 : i32
        %sign3A_1064 = arith.extui %sign3A_1063 : i1 to i32
        %sign3A_1065 = arith.constant 0 : i32
        %sign3A_1066 = arith.cmpi slt, %add3A_1059, %sign3A_1065 : i32
        %sign3A_1067 = arith.extui %sign3A_1066 : i1 to i32
        %sign3A_1068 = arith.subi %sign3A_1064, %sign3A_1067 : i32
        %sign3A_1069 = arith.constant 0 : i32
        %sign3A_1070 = arith.cmpi sgt, %jit3A_1060, %sign3A_1069 : i32
        %sign3A_1071 = arith.extui %sign3A_1070 : i1 to i32
        %sign3A_1072 = arith.constant 0 : i32
        %sign3A_1073 = arith.cmpi slt, %jit3A_1060, %sign3A_1072 : i32
        %sign3A_1074 = arith.extui %sign3A_1073 : i1 to i32
        %sign3A_1075 = arith.subi %sign3A_1071, %sign3A_1074 : i32
        %ne3A_1076 = arith.cmpi ne, %sign3A_1068, %sign3A_1075 : i32
        %rem3A_1077 = arith.remsi %add3A_1059, %jit3A_1060 : i32
        %ne3A_1078 = arith.constant 0 : i32
        %ne3A_1079 = arith.cmpi ne, %rem3A_1077, %ne3A_1078 : i32
        %and3A_1080 = arith.andi %ne3A_1076, %ne3A_1079 : i1
        %sub3A_1081 = arith.constant 1 : i32
        %sub3A_1082 = arith.subi %div3A_1061, %sub3A_1081 : i32
        %select_n3A_1083 = arith.select %and3A_1080, %sub3A_1082, %div3A_1061 : i32
        %jit3A_1084 = arith.constant 2 : i32
        %eq3A_1085 = arith.constant 0 : i32
        %eq3A_1086 = arith.cmpi eq, %jit3A_1084, %eq3A_1085 : i32
        %jit3A_1087 = arith.constant 1 : i32
        %select_n3A_1088 = arith.select %eq3A_1086, %jit3A_1087, %jit3A_1084 : i32
        %rem3A_1089 = arith.remsi %add3A_1059, %select_n3A_1088 : i32
        %ne3A_1090 = arith.constant 0 : i32
        %ne3A_1091 = arith.cmpi ne, %rem3A_1089, %ne3A_1090 : i32
        %lt3A_1092 = arith.constant 0 : i32
        %lt3A_1093 = arith.cmpi slt, %rem3A_1089, %lt3A_1092 : i32
        %lt3A_1094 = arith.constant 0 : i32
        %lt3A_1095 = arith.cmpi slt, %select_n3A_1088, %lt3A_1094 : i32
        %ne3A_1096 = arith.xori %lt3A_1093, %lt3A_1095 : i1
        %and3A_1097 = arith.andi %ne3A_1096, %ne3A_1091 : i1
        %add3A_1098 = arith.addi %rem3A_1089, %select_n3A_1088 : i32
        %select_n3A_1099 = arith.select %and3A_1097, %add3A_1098, %rem3A_1089 : i32
        %mul3A_1100 = arith.constant 64 : i32
        %mul3A_1101 = arith.muli %select_n3A_1099, %mul3A_1100 : i32
        %dma_start3A_1102 = tpu.memref_slice %arg5[%select_n3A_1083, %mul3A_1101] : memref<50x128xi32, #tpu.memory_space<vmem>> -> memref<1x64xi32, #tpu.memory_space<vmem>>
        %dma_start3A_1103 = tpu.memref_squeeze %dma_start3A_1102 : memref<1x64xi32, #tpu.memory_space<vmem>> -> memref<64xi32, #tpu.memory_space<vmem>>
        %dma_start3A_1104 = arith.constant 0 : i32
        %dma_start3A_1105 = arith.constant 0 : i32
        %dma_start3A_1106 = tpu.memref_slice %arg3[%dma_start3A_1104, %dma_start3A_1105] : memref<100000x128xf32, #tpu.memory_space<hbm>> -> memref<100000x128xf32, #tpu.memory_space<hbm>>
        tpu.enqueue_indirect_dma source(%dma_start3A_1106 : memref<100000x128xf32, #tpu.memory_space<hbm>>) target(%arg8 : memref<64x128xf32, #tpu.memory_space<vmem>>) offsets(%dma_start3A_1103 : memref<64xi32, #tpu.memory_space<vmem>>) semaphore(%arg18 : memref<!tpu.dma_semaphore, #tpu.memory_space<semaphore_mem>>)
      } else {
      }
      %add3A_365 = arith.constant 3 : i32
      %add3A_366 = arith.addi %add3A_80, %add3A_365 : i32
      %jit3A_367 = arith.constant 2 : i32
      %div3A_368 = arith.divsi %add3A_366, %jit3A_367 : i32
      %sign3A_369 = arith.constant 0 : i32
      %sign3A_370 = arith.cmpi sgt, %add3A_366, %sign3A_369 : i32
      %sign3A_371 = arith.extui %sign3A_370 : i1 to i32
      %sign3A_372 = arith.constant 0 : i32
      %sign3A_373 = arith.cmpi slt, %add3A_366, %sign3A_372 : i32
      %sign3A_374 = arith.extui %sign3A_373 : i1 to i32
      %sign3A_375 = arith.subi %sign3A_371, %sign3A_374 : i32
      %sign3A_376 = arith.constant 0 : i32
      %sign3A_377 = arith.cmpi sgt, %jit3A_367, %sign3A_376 : i32
      %sign3A_378 = arith.extui %sign3A_377 : i1 to i32
      %sign3A_379 = arith.constant 0 : i32
      %sign3A_380 = arith.cmpi slt, %jit3A_367, %sign3A_379 : i32
      %sign3A_381 = arith.extui %sign3A_380 : i1 to i32
      %sign3A_382 = arith.subi %sign3A_378, %sign3A_381 : i32
      %ne3A_383 = arith.cmpi ne, %sign3A_375, %sign3A_382 : i32
      %rem3A_384 = arith.remsi %add3A_366, %jit3A_367 : i32
      %ne3A_385 = arith.constant 0 : i32
      %ne3A_386 = arith.cmpi ne, %rem3A_384, %ne3A_385 : i32
      %and3A_387 = arith.andi %ne3A_383, %ne3A_386 : i1
      %sub3A_388 = arith.constant 1 : i32
      %sub3A_389 = arith.subi %div3A_368, %sub3A_388 : i32
      %select_n3A_390 = arith.select %and3A_387, %sub3A_389, %div3A_368 : i32
      %jit3A_391 = arith.constant 2 : i32
      %eq3A_392 = arith.constant 0 : i32
      %eq3A_393 = arith.cmpi eq, %jit3A_391, %eq3A_392 : i32
      %jit3A_394 = arith.constant 1 : i32
      %select_n3A_395 = arith.select %eq3A_393, %jit3A_394, %jit3A_391 : i32
      %rem3A_396 = arith.remsi %add3A_366, %select_n3A_395 : i32
      %ne3A_397 = arith.constant 0 : i32
      %ne3A_398 = arith.cmpi ne, %rem3A_396, %ne3A_397 : i32
      %lt3A_399 = arith.constant 0 : i32
      %lt3A_400 = arith.cmpi slt, %rem3A_396, %lt3A_399 : i32
      %lt3A_401 = arith.constant 0 : i32
      %lt3A_402 = arith.cmpi slt, %select_n3A_395, %lt3A_401 : i32
      %ne3A_403 = arith.xori %lt3A_400, %lt3A_402 : i1
      %and3A_404 = arith.andi %ne3A_403, %ne3A_398 : i1
      %add3A_405 = arith.addi %rem3A_396, %select_n3A_395 : i32
      %select_n3A_406 = arith.select %and3A_404, %add3A_405, %rem3A_396 : i32
      %mul3A_407 = arith.constant 64 : i32
      %mul3A_408 = arith.muli %select_n3A_406, %mul3A_407 : i32
      %dma_wait3A_409 = tpu.memref_slice %arg5[%select_n3A_390, %mul3A_408] : memref<50x128xi32, #tpu.memory_space<vmem>> -> memref<1x64xi32, #tpu.memory_space<vmem>>
      %dma_wait3A_410 = tpu.memref_squeeze %dma_wait3A_409 : memref<1x64xi32, #tpu.memory_space<vmem>> -> memref<64xi32, #tpu.memory_space<vmem>>
      %dma_wait3A_411 = arith.constant 0 : i32
      %dma_wait3A_412 = arith.constant 0 : i32
      %dma_wait3A_413 = tpu.memref_slice %arg3[%dma_wait3A_411, %dma_wait3A_412] : memref<100000x128xf32, #tpu.memory_space<hbm>> -> memref<100000x128xf32, #tpu.memory_space<hbm>>
      tpu.wait_indirect_dma semaphore(%arg19 : memref<!tpu.dma_semaphore, #tpu.memory_space<semaphore_mem>>) src(%dma_wait3A_413 : memref<100000x128xf32, #tpu.memory_space<hbm>>) dst(%arg9 : memref<64x128xf32, #tpu.memory_space<vmem>>)
      %jit3A_414 = arith.constant 2 : i32
      %div3A_415 = arith.divsi %add3A_366, %jit3A_414 : i32
      %sign3A_416 = arith.constant 0 : i32
      %sign3A_417 = arith.cmpi sgt, %add3A_366, %sign3A_416 : i32
      %sign3A_418 = arith.extui %sign3A_417 : i1 to i32
      %sign3A_419 = arith.constant 0 : i32
      %sign3A_420 = arith.cmpi slt, %add3A_366, %sign3A_419 : i32
      %sign3A_421 = arith.extui %sign3A_420 : i1 to i32
      %sign3A_422 = arith.subi %sign3A_418, %sign3A_421 : i32
      %sign3A_423 = arith.constant 0 : i32
      %sign3A_424 = arith.cmpi sgt, %jit3A_414, %sign3A_423 : i32
      %sign3A_425 = arith.extui %sign3A_424 : i1 to i32
      %sign3A_426 = arith.constant 0 : i32
      %sign3A_427 = arith.cmpi slt, %jit3A_414, %sign3A_426 : i32
      %sign3A_428 = arith.extui %sign3A_427 : i1 to i32
      %sign3A_429 = arith.subi %sign3A_425, %sign3A_428 : i32
      %ne3A_430 = arith.cmpi ne, %sign3A_422, %sign3A_429 : i32
      %rem3A_431 = arith.remsi %add3A_366, %jit3A_414 : i32
      %ne3A_432 = arith.constant 0 : i32
      %ne3A_433 = arith.cmpi ne, %rem3A_431, %ne3A_432 : i32
      %and3A_434 = arith.andi %ne3A_430, %ne3A_433 : i1
      %sub3A_435 = arith.constant 1 : i32
      %sub3A_436 = arith.subi %div3A_415, %sub3A_435 : i32
      %select_n3A_437 = arith.select %and3A_434, %sub3A_436, %div3A_415 : i32
      %jit3A_438 = arith.constant 2 : i32
      %eq3A_439 = arith.constant 0 : i32
      %eq3A_440 = arith.cmpi eq, %jit3A_438, %eq3A_439 : i32
      %jit3A_441 = arith.constant 1 : i32
      %select_n3A_442 = arith.select %eq3A_440, %jit3A_441, %jit3A_438 : i32
      %rem3A_443 = arith.remsi %add3A_366, %select_n3A_442 : i32
      %ne3A_444 = arith.constant 0 : i32
      %ne3A_445 = arith.cmpi ne, %rem3A_443, %ne3A_444 : i32
      %lt3A_446 = arith.constant 0 : i32
      %lt3A_447 = arith.cmpi slt, %rem3A_443, %lt3A_446 : i32
      %lt3A_448 = arith.constant 0 : i32
      %lt3A_449 = arith.cmpi slt, %select_n3A_442, %lt3A_448 : i32
      %ne3A_450 = arith.xori %lt3A_447, %lt3A_449 : i1
      %and3A_451 = arith.andi %ne3A_450, %ne3A_445 : i1
      %add3A_452 = arith.addi %rem3A_443, %select_n3A_442 : i32
      %select_n3A_453 = arith.select %and3A_451, %add3A_452, %rem3A_443 : i32
      %mul3A_454 = arith.constant 64 : i32
      %mul3A_455 = arith.muli %select_n3A_453, %mul3A_454 : i32
      %add3A_456 = arith.addi %mul3A_2, %mul3A_455 : i32
      "tpu.region"() ({
        %run_scoped3A = tpu.sem_alloc : memref<!tpu.dma_semaphore, #tpu.memory_space<semaphore_mem>>
        %dma_start3A_1058 = arith.constant 0 : i32
        %dma_start3A_1059 = tpu.memref_slice %arg4[%select_n3A_437, %add3A_456, %dma_start3A_1058] : memref<50x4096x128xf32, #tpu.memory_space<hbm>> -> memref<1x64x128xf32, #tpu.memory_space<hbm>>
        %dma_start3A_1060 = tpu.memref_squeeze %dma_start3A_1059 : memref<1x64x128xf32, #tpu.memory_space<hbm>> -> memref<64x128xf32, #tpu.memory_space<hbm>>
        %dma_start3A_1061 = arith.constant 0 : i32
        %dma_start3A_1062 = tpu.memref_slice %arg4[%select_n3A_437, %add3A_456, %dma_start3A_1061] : memref<50x4096x128xf32, #tpu.memory_space<hbm>> -> memref<1x64x128xf32, #tpu.memory_space<hbm>>
        %dma_start3A_1063 = tpu.memref_squeeze %dma_start3A_1062 : memref<1x64x128xf32, #tpu.memory_space<hbm>> -> memref<64x128xf32, #tpu.memory_space<hbm>>
        tpu.enqueue_dma source(%arg9 : memref<64x128xf32, #tpu.memory_space<vmem>>) target(%dma_start3A_1063 : memref<64x128xf32, #tpu.memory_space<hbm>>) target_semaphore(%run_scoped3A : memref<!tpu.dma_semaphore, #tpu.memory_space<semaphore_mem>>)
        %dma_wait3A_1064 = arith.constant 0 : i32
        %dma_wait3A_1065 = tpu.memref_slice %arg4[%select_n3A_437, %add3A_456, %dma_wait3A_1064] : memref<50x4096x128xf32, #tpu.memory_space<hbm>> -> memref<1x64x128xf32, #tpu.memory_space<hbm>>
        %dma_wait3A_1066 = tpu.memref_squeeze %dma_wait3A_1065 : memref<1x64x128xf32, #tpu.memory_space<hbm>> -> memref<64x128xf32, #tpu.memory_space<hbm>>
        %dma_wait3A_1067 = arith.constant 0 : i32
        %dma_wait3A_1068 = tpu.memref_slice %arg4[%select_n3A_437, %add3A_456, %dma_wait3A_1067] : memref<50x4096x128xf32, #tpu.memory_space<hbm>> -> memref<1x64x128xf32, #tpu.memory_space<hbm>>
        %dma_wait3A_1069 = tpu.memref_squeeze %dma_wait3A_1068 : memref<1x64x128xf32, #tpu.memory_space<hbm>> -> memref<64x128xf32, #tpu.memory_space<hbm>>
        tpu.wait_dma2 semaphore(%run_scoped3A : memref<!tpu.dma_semaphore, #tpu.memory_space<semaphore_mem>>) src(%arg9 : memref<64x128xf32, #tpu.memory_space<vmem>>) dst(%dma_wait3A_1069 : memref<64x128xf32, #tpu.memory_space<hbm>>)
        tpu.yield
      }) : () -> ()
      %add3A_457 = arith.constant 10 : i32
      %add3A_458 = arith.addi %add3A_366, %add3A_457 : i32
      %lt3A_459 = arith.constant 100 : i32
      %lt3A_460 = arith.cmpi slt, %add3A_458, %lt3A_459 : i32
      %convert_element_type3A_461 = arith.extui %lt3A_460 : i1 to i32
      %cond3A_462 = arith.constant 0 : i32
      %cond3A_463 = arith.cmpi ne, %convert_element_type3A_461, %cond3A_462 : i32
      scf.if %cond3A_463 {
        %add3A_1058 = arith.constant 10 : i32
        %add3A_1059 = arith.addi %add3A_366, %add3A_1058 : i32
        %jit3A_1060 = arith.constant 2 : i32
        %div3A_1061 = arith.divsi %add3A_1059, %jit3A_1060 : i32
        %sign3A_1062 = arith.constant 0 : i32
        %sign3A_1063 = arith.cmpi sgt, %add3A_1059, %sign3A_1062 : i32
        %sign3A_1064 = arith.extui %sign3A_1063 : i1 to i32
        %sign3A_1065 = arith.constant 0 : i32
        %sign3A_1066 = arith.cmpi slt, %add3A_1059, %sign3A_1065 : i32
        %sign3A_1067 = arith.extui %sign3A_1066 : i1 to i32
        %sign3A_1068 = arith.subi %sign3A_1064, %sign3A_1067 : i32
        %sign3A_1069 = arith.constant 0 : i32
        %sign3A_1070 = arith.cmpi sgt, %jit3A_1060, %sign3A_1069 : i32
        %sign3A_1071 = arith.extui %sign3A_1070 : i1 to i32
        %sign3A_1072 = arith.constant 0 : i32
        %sign3A_1073 = arith.cmpi slt, %jit3A_1060, %sign3A_1072 : i32
        %sign3A_1074 = arith.extui %sign3A_1073 : i1 to i32
        %sign3A_1075 = arith.subi %sign3A_1071, %sign3A_1074 : i32
        %ne3A_1076 = arith.cmpi ne, %sign3A_1068, %sign3A_1075 : i32
        %rem3A_1077 = arith.remsi %add3A_1059, %jit3A_1060 : i32
        %ne3A_1078 = arith.constant 0 : i32
        %ne3A_1079 = arith.cmpi ne, %rem3A_1077, %ne3A_1078 : i32
        %and3A_1080 = arith.andi %ne3A_1076, %ne3A_1079 : i1
        %sub3A_1081 = arith.constant 1 : i32
        %sub3A_1082 = arith.subi %div3A_1061, %sub3A_1081 : i32
        %select_n3A_1083 = arith.select %and3A_1080, %sub3A_1082, %div3A_1061 : i32
        %jit3A_1084 = arith.constant 2 : i32
        %eq3A_1085 = arith.constant 0 : i32
        %eq3A_1086 = arith.cmpi eq, %jit3A_1084, %eq3A_1085 : i32
        %jit3A_1087 = arith.constant 1 : i32
        %select_n3A_1088 = arith.select %eq3A_1086, %jit3A_1087, %jit3A_1084 : i32
        %rem3A_1089 = arith.remsi %add3A_1059, %select_n3A_1088 : i32
        %ne3A_1090 = arith.constant 0 : i32
        %ne3A_1091 = arith.cmpi ne, %rem3A_1089, %ne3A_1090 : i32
        %lt3A_1092 = arith.constant 0 : i32
        %lt3A_1093 = arith.cmpi slt, %rem3A_1089, %lt3A_1092 : i32
        %lt3A_1094 = arith.constant 0 : i32
        %lt3A_1095 = arith.cmpi slt, %select_n3A_1088, %lt3A_1094 : i32
        %ne3A_1096 = arith.xori %lt3A_1093, %lt3A_1095 : i1
        %and3A_1097 = arith.andi %ne3A_1096, %ne3A_1091 : i1
        %add3A_1098 = arith.addi %rem3A_1089, %select_n3A_1088 : i32
        %select_n3A_1099 = arith.select %and3A_1097, %add3A_1098, %rem3A_1089 : i32
        %mul3A_1100 = arith.constant 64 : i32
        %mul3A_1101 = arith.muli %select_n3A_1099, %mul3A_1100 : i32
        %dma_start3A_1102 = tpu.memref_slice %arg5[%select_n3A_1083, %mul3A_1101] : memref<50x128xi32, #tpu.memory_space<vmem>> -> memref<1x64xi32, #tpu.memory_space<vmem>>
        %dma_start3A_1103 = tpu.memref_squeeze %dma_start3A_1102 : memref<1x64xi32, #tpu.memory_space<vmem>> -> memref<64xi32, #tpu.memory_space<vmem>>
        %dma_start3A_1104 = arith.constant 0 : i32
        %dma_start3A_1105 = arith.constant 0 : i32
        %dma_start3A_1106 = tpu.memref_slice %arg3[%dma_start3A_1104, %dma_start3A_1105] : memref<100000x128xf32, #tpu.memory_space<hbm>> -> memref<100000x128xf32, #tpu.memory_space<hbm>>
        tpu.enqueue_indirect_dma source(%dma_start3A_1106 : memref<100000x128xf32, #tpu.memory_space<hbm>>) target(%arg9 : memref<64x128xf32, #tpu.memory_space<vmem>>) offsets(%dma_start3A_1103 : memref<64xi32, #tpu.memory_space<vmem>>) semaphore(%arg19 : memref<!tpu.dma_semaphore, #tpu.memory_space<semaphore_mem>>)
      } else {
      }
      %add3A_464 = arith.constant 4 : i32
      %add3A_465 = arith.addi %add3A_80, %add3A_464 : i32
      %jit3A_466 = arith.constant 2 : i32
      %div3A_467 = arith.divsi %add3A_465, %jit3A_466 : i32
      %sign3A_468 = arith.constant 0 : i32
      %sign3A_469 = arith.cmpi sgt, %add3A_465, %sign3A_468 : i32
      %sign3A_470 = arith.extui %sign3A_469 : i1 to i32
      %sign3A_471 = arith.constant 0 : i32
      %sign3A_472 = arith.cmpi slt, %add3A_465, %sign3A_471 : i32
      %sign3A_473 = arith.extui %sign3A_472 : i1 to i32
      %sign3A_474 = arith.subi %sign3A_470, %sign3A_473 : i32
      %sign3A_475 = arith.constant 0 : i32
      %sign3A_476 = arith.cmpi sgt, %jit3A_466, %sign3A_475 : i32
      %sign3A_477 = arith.extui %sign3A_476 : i1 to i32
      %sign3A_478 = arith.constant 0 : i32
      %sign3A_479 = arith.cmpi slt, %jit3A_466, %sign3A_478 : i32
      %sign3A_480 = arith.extui %sign3A_479 : i1 to i32
      %sign3A_481 = arith.subi %sign3A_477, %sign3A_480 : i32
      %ne3A_482 = arith.cmpi ne, %sign3A_474, %sign3A_481 : i32
      %rem3A_483 = arith.remsi %add3A_465, %jit3A_466 : i32
      %ne3A_484 = arith.constant 0 : i32
      %ne3A_485 = arith.cmpi ne, %rem3A_483, %ne3A_484 : i32
      %and3A_486 = arith.andi %ne3A_482, %ne3A_485 : i1
      %sub3A_487 = arith.constant 1 : i32
      %sub3A_488 = arith.subi %div3A_467, %sub3A_487 : i32
      %select_n3A_489 = arith.select %and3A_486, %sub3A_488, %div3A_467 : i32
      %jit3A_490 = arith.constant 2 : i32
      %eq3A_491 = arith.constant 0 : i32
      %eq3A_492 = arith.cmpi eq, %jit3A_490, %eq3A_491 : i32
      %jit3A_493 = arith.constant 1 : i32
      %select_n3A_494 = arith.select %eq3A_492, %jit3A_493, %jit3A_490 : i32
      %rem3A_495 = arith.remsi %add3A_465, %select_n3A_494 : i32
      %ne3A_496 = arith.constant 0 : i32
      %ne3A_497 = arith.cmpi ne, %rem3A_495, %ne3A_496 : i32
      %lt3A_498 = arith.constant 0 : i32
      %lt3A_499 = arith.cmpi slt, %rem3A_495, %lt3A_498 : i32
      %lt3A_500 = arith.constant 0 : i32
      %lt3A_501 = arith.cmpi slt, %select_n3A_494, %lt3A_500 : i32
      %ne3A_502 = arith.xori %lt3A_499, %lt3A_501 : i1
      %and3A_503 = arith.andi %ne3A_502, %ne3A_497 : i1
      %add3A_504 = arith.addi %rem3A_495, %select_n3A_494 : i32
      %select_n3A_505 = arith.select %and3A_503, %add3A_504, %rem3A_495 : i32
      %mul3A_506 = arith.constant 64 : i32
      %mul3A_507 = arith.muli %select_n3A_505, %mul3A_506 : i32
      %dma_wait3A_508 = tpu.memref_slice %arg5[%select_n3A_489, %mul3A_507] : memref<50x128xi32, #tpu.memory_space<vmem>> -> memref<1x64xi32, #tpu.memory_space<vmem>>
      %dma_wait3A_509 = tpu.memref_squeeze %dma_wait3A_508 : memref<1x64xi32, #tpu.memory_space<vmem>> -> memref<64xi32, #tpu.memory_space<vmem>>
      %dma_wait3A_510 = arith.constant 0 : i32
      %dma_wait3A_511 = arith.constant 0 : i32
      %dma_wait3A_512 = tpu.memref_slice %arg3[%dma_wait3A_510, %dma_wait3A_511] : memref<100000x128xf32, #tpu.memory_space<hbm>> -> memref<100000x128xf32, #tpu.memory_space<hbm>>
      tpu.wait_indirect_dma semaphore(%arg20 : memref<!tpu.dma_semaphore, #tpu.memory_space<semaphore_mem>>) src(%dma_wait3A_512 : memref<100000x128xf32, #tpu.memory_space<hbm>>) dst(%arg10 : memref<64x128xf32, #tpu.memory_space<vmem>>)
      %jit3A_513 = arith.constant 2 : i32
      %div3A_514 = arith.divsi %add3A_465, %jit3A_513 : i32
      %sign3A_515 = arith.constant 0 : i32
      %sign3A_516 = arith.cmpi sgt, %add3A_465, %sign3A_515 : i32
      %sign3A_517 = arith.extui %sign3A_516 : i1 to i32
      %sign3A_518 = arith.constant 0 : i32
      %sign3A_519 = arith.cmpi slt, %add3A_465, %sign3A_518 : i32
      %sign3A_520 = arith.extui %sign3A_519 : i1 to i32
      %sign3A_521 = arith.subi %sign3A_517, %sign3A_520 : i32
      %sign3A_522 = arith.constant 0 : i32
      %sign3A_523 = arith.cmpi sgt, %jit3A_513, %sign3A_522 : i32
      %sign3A_524 = arith.extui %sign3A_523 : i1 to i32
      %sign3A_525 = arith.constant 0 : i32
      %sign3A_526 = arith.cmpi slt, %jit3A_513, %sign3A_525 : i32
      %sign3A_527 = arith.extui %sign3A_526 : i1 to i32
      %sign3A_528 = arith.subi %sign3A_524, %sign3A_527 : i32
      %ne3A_529 = arith.cmpi ne, %sign3A_521, %sign3A_528 : i32
      %rem3A_530 = arith.remsi %add3A_465, %jit3A_513 : i32
      %ne3A_531 = arith.constant 0 : i32
      %ne3A_532 = arith.cmpi ne, %rem3A_530, %ne3A_531 : i32
      %and3A_533 = arith.andi %ne3A_529, %ne3A_532 : i1
      %sub3A_534 = arith.constant 1 : i32
      %sub3A_535 = arith.subi %div3A_514, %sub3A_534 : i32
      %select_n3A_536 = arith.select %and3A_533, %sub3A_535, %div3A_514 : i32
      %jit3A_537 = arith.constant 2 : i32
      %eq3A_538 = arith.constant 0 : i32
      %eq3A_539 = arith.cmpi eq, %jit3A_537, %eq3A_538 : i32
      %jit3A_540 = arith.constant 1 : i32
      %select_n3A_541 = arith.select %eq3A_539, %jit3A_540, %jit3A_537 : i32
      %rem3A_542 = arith.remsi %add3A_465, %select_n3A_541 : i32
      %ne3A_543 = arith.constant 0 : i32
      %ne3A_544 = arith.cmpi ne, %rem3A_542, %ne3A_543 : i32
      %lt3A_545 = arith.constant 0 : i32
      %lt3A_546 = arith.cmpi slt, %rem3A_542, %lt3A_545 : i32
      %lt3A_547 = arith.constant 0 : i32
      %lt3A_548 = arith.cmpi slt, %select_n3A_541, %lt3A_547 : i32
      %ne3A_549 = arith.xori %lt3A_546, %lt3A_548 : i1
      %and3A_550 = arith.andi %ne3A_549, %ne3A_544 : i1
      %add3A_551 = arith.addi %rem3A_542, %select_n3A_541 : i32
      %select_n3A_552 = arith.select %and3A_550, %add3A_551, %rem3A_542 : i32
      %mul3A_553 = arith.constant 64 : i32
      %mul3A_554 = arith.muli %select_n3A_552, %mul3A_553 : i32
      %add3A_555 = arith.addi %mul3A_2, %mul3A_554 : i32
      "tpu.region"() ({
        %run_scoped3A = tpu.sem_alloc : memref<!tpu.dma_semaphore, #tpu.memory_space<semaphore_mem>>
        %dma_start3A_1058 = arith.constant 0 : i32
        %dma_start3A_1059 = tpu.memref_slice %arg4[%select_n3A_536, %add3A_555, %dma_start3A_1058] : memref<50x4096x128xf32, #tpu.memory_space<hbm>> -> memref<1x64x128xf32, #tpu.memory_space<hbm>>
        %dma_start3A_1060 = tpu.memref_squeeze %dma_start3A_1059 : memref<1x64x128xf32, #tpu.memory_space<hbm>> -> memref<64x128xf32, #tpu.memory_space<hbm>>
        %dma_start3A_1061 = arith.constant 0 : i32
        %dma_start3A_1062 = tpu.memref_slice %arg4[%select_n3A_536, %add3A_555, %dma_start3A_1061] : memref<50x4096x128xf32, #tpu.memory_space<hbm>> -> memref<1x64x128xf32, #tpu.memory_space<hbm>>
        %dma_start3A_1063 = tpu.memref_squeeze %dma_start3A_1062 : memref<1x64x128xf32, #tpu.memory_space<hbm>> -> memref<64x128xf32, #tpu.memory_space<hbm>>
        tpu.enqueue_dma source(%arg10 : memref<64x128xf32, #tpu.memory_space<vmem>>) target(%dma_start3A_1063 : memref<64x128xf32, #tpu.memory_space<hbm>>) target_semaphore(%run_scoped3A : memref<!tpu.dma_semaphore, #tpu.memory_space<semaphore_mem>>)
        %dma_wait3A_1064 = arith.constant 0 : i32
        %dma_wait3A_1065 = tpu.memref_slice %arg4[%select_n3A_536, %add3A_555, %dma_wait3A_1064] : memref<50x4096x128xf32, #tpu.memory_space<hbm>> -> memref<1x64x128xf32, #tpu.memory_space<hbm>>
        %dma_wait3A_1066 = tpu.memref_squeeze %dma_wait3A_1065 : memref<1x64x128xf32, #tpu.memory_space<hbm>> -> memref<64x128xf32, #tpu.memory_space<hbm>>
        %dma_wait3A_1067 = arith.constant 0 : i32
        %dma_wait3A_1068 = tpu.memref_slice %arg4[%select_n3A_536, %add3A_555, %dma_wait3A_1067] : memref<50x4096x128xf32, #tpu.memory_space<hbm>> -> memref<1x64x128xf32, #tpu.memory_space<hbm>>
        %dma_wait3A_1069 = tpu.memref_squeeze %dma_wait3A_1068 : memref<1x64x128xf32, #tpu.memory_space<hbm>> -> memref<64x128xf32, #tpu.memory_space<hbm>>
        tpu.wait_dma2 semaphore(%run_scoped3A : memref<!tpu.dma_semaphore, #tpu.memory_space<semaphore_mem>>) src(%arg10 : memref<64x128xf32, #tpu.memory_space<vmem>>) dst(%dma_wait3A_1069 : memref<64x128xf32, #tpu.memory_space<hbm>>)
        tpu.yield
      }) : () -> ()
      %add3A_556 = arith.constant 10 : i32
      %add3A_557 = arith.addi %add3A_465, %add3A_556 : i32
      %lt3A_558 = arith.constant 100 : i32
      %lt3A_559 = arith.cmpi slt, %add3A_557, %lt3A_558 : i32
      %convert_element_type3A_560 = arith.extui %lt3A_559 : i1 to i32
      %cond3A_561 = arith.constant 0 : i32
      %cond3A_562 = arith.cmpi ne, %convert_element_type3A_560, %cond3A_561 : i32
      scf.if %cond3A_562 {
        %add3A_1058 = arith.constant 10 : i32
        %add3A_1059 = arith.addi %add3A_465, %add3A_1058 : i32
        %jit3A_1060 = arith.constant 2 : i32
        %div3A_1061 = arith.divsi %add3A_1059, %jit3A_1060 : i32
        %sign3A_1062 = arith.constant 0 : i32
        %sign3A_1063 = arith.cmpi sgt, %add3A_1059, %sign3A_1062 : i32
        %sign3A_1064 = arith.extui %sign3A_1063 : i1 to i32
        %sign3A_1065 = arith.constant 0 : i32
        %sign3A_1066 = arith.cmpi slt, %add3A_1059, %sign3A_1065 : i32
        %sign3A_1067 = arith.extui %sign3A_1066 : i1 to i32
        %sign3A_1068 = arith.subi %sign3A_1064, %sign3A_1067 : i32
        %sign3A_1069 = arith.constant 0 : i32
        %sign3A_1070 = arith.cmpi sgt, %jit3A_1060, %sign3A_1069 : i32
        %sign3A_1071 = arith.extui %sign3A_1070 : i1 to i32
        %sign3A_1072 = arith.constant 0 : i32
        %sign3A_1073 = arith.cmpi slt, %jit3A_1060, %sign3A_1072 : i32
        %sign3A_1074 = arith.extui %sign3A_1073 : i1 to i32
        %sign3A_1075 = arith.subi %sign3A_1071, %sign3A_1074 : i32
        %ne3A_1076 = arith.cmpi ne, %sign3A_1068, %sign3A_1075 : i32
        %rem3A_1077 = arith.remsi %add3A_1059, %jit3A_1060 : i32
        %ne3A_1078 = arith.constant 0 : i32
        %ne3A_1079 = arith.cmpi ne, %rem3A_1077, %ne3A_1078 : i32
        %and3A_1080 = arith.andi %ne3A_1076, %ne3A_1079 : i1
        %sub3A_1081 = arith.constant 1 : i32
        %sub3A_1082 = arith.subi %div3A_1061, %sub3A_1081 : i32
        %select_n3A_1083 = arith.select %and3A_1080, %sub3A_1082, %div3A_1061 : i32
        %jit3A_1084 = arith.constant 2 : i32
        %eq3A_1085 = arith.constant 0 : i32
        %eq3A_1086 = arith.cmpi eq, %jit3A_1084, %eq3A_1085 : i32
        %jit3A_1087 = arith.constant 1 : i32
        %select_n3A_1088 = arith.select %eq3A_1086, %jit3A_1087, %jit3A_1084 : i32
        %rem3A_1089 = arith.remsi %add3A_1059, %select_n3A_1088 : i32
        %ne3A_1090 = arith.constant 0 : i32
        %ne3A_1091 = arith.cmpi ne, %rem3A_1089, %ne3A_1090 : i32
        %lt3A_1092 = arith.constant 0 : i32
        %lt3A_1093 = arith.cmpi slt, %rem3A_1089, %lt3A_1092 : i32
        %lt3A_1094 = arith.constant 0 : i32
        %lt3A_1095 = arith.cmpi slt, %select_n3A_1088, %lt3A_1094 : i32
        %ne3A_1096 = arith.xori %lt3A_1093, %lt3A_1095 : i1
        %and3A_1097 = arith.andi %ne3A_1096, %ne3A_1091 : i1
        %add3A_1098 = arith.addi %rem3A_1089, %select_n3A_1088 : i32
        %select_n3A_1099 = arith.select %and3A_1097, %add3A_1098, %rem3A_1089 : i32
        %mul3A_1100 = arith.constant 64 : i32
        %mul3A_1101 = arith.muli %select_n3A_1099, %mul3A_1100 : i32
        %dma_start3A_1102 = tpu.memref_slice %arg5[%select_n3A_1083, %mul3A_1101] : memref<50x128xi32, #tpu.memory_space<vmem>> -> memref<1x64xi32, #tpu.memory_space<vmem>>
        %dma_start3A_1103 = tpu.memref_squeeze %dma_start3A_1102 : memref<1x64xi32, #tpu.memory_space<vmem>> -> memref<64xi32, #tpu.memory_space<vmem>>
        %dma_start3A_1104 = arith.constant 0 : i32
        %dma_start3A_1105 = arith.constant 0 : i32
        %dma_start3A_1106 = tpu.memref_slice %arg3[%dma_start3A_1104, %dma_start3A_1105] : memref<100000x128xf32, #tpu.memory_space<hbm>> -> memref<100000x128xf32, #tpu.memory_space<hbm>>
        tpu.enqueue_indirect_dma source(%dma_start3A_1106 : memref<100000x128xf32, #tpu.memory_space<hbm>>) target(%arg10 : memref<64x128xf32, #tpu.memory_space<vmem>>) offsets(%dma_start3A_1103 : memref<64xi32, #tpu.memory_space<vmem>>) semaphore(%arg20 : memref<!tpu.dma_semaphore, #tpu.memory_space<semaphore_mem>>)
      } else {
      }
      %add3A_563 = arith.constant 5 : i32
      %add3A_564 = arith.addi %add3A_80, %add3A_563 : i32
      %jit3A_565 = arith.constant 2 : i32
      %div3A_566 = arith.divsi %add3A_564, %jit3A_565 : i32
      %sign3A_567 = arith.constant 0 : i32
      %sign3A_568 = arith.cmpi sgt, %add3A_564, %sign3A_567 : i32
      %sign3A_569 = arith.extui %sign3A_568 : i1 to i32
      %sign3A_570 = arith.constant 0 : i32
      %sign3A_571 = arith.cmpi slt, %add3A_564, %sign3A_570 : i32
      %sign3A_572 = arith.extui %sign3A_571 : i1 to i32
      %sign3A_573 = arith.subi %sign3A_569, %sign3A_572 : i32
      %sign3A_574 = arith.constant 0 : i32
      %sign3A_575 = arith.cmpi sgt, %jit3A_565, %sign3A_574 : i32
      %sign3A_576 = arith.extui %sign3A_575 : i1 to i32
      %sign3A_577 = arith.constant 0 : i32
      %sign3A_578 = arith.cmpi slt, %jit3A_565, %sign3A_577 : i32
      %sign3A_579 = arith.extui %sign3A_578 : i1 to i32
      %sign3A_580 = arith.subi %sign3A_576, %sign3A_579 : i32
      %ne3A_581 = arith.cmpi ne, %sign3A_573, %sign3A_580 : i32
      %rem3A_582 = arith.remsi %add3A_564, %jit3A_565 : i32
      %ne3A_583 = arith.constant 0 : i32
      %ne3A_584 = arith.cmpi ne, %rem3A_582, %ne3A_583 : i32
      %and3A_585 = arith.andi %ne3A_581, %ne3A_584 : i1
      %sub3A_586 = arith.constant 1 : i32
      %sub3A_587 = arith.subi %div3A_566, %sub3A_586 : i32
      %select_n3A_588 = arith.select %and3A_585, %sub3A_587, %div3A_566 : i32
      %jit3A_589 = arith.constant 2 : i32
      %eq3A_590 = arith.constant 0 : i32
      %eq3A_591 = arith.cmpi eq, %jit3A_589, %eq3A_590 : i32
      %jit3A_592 = arith.constant 1 : i32
      %select_n3A_593 = arith.select %eq3A_591, %jit3A_592, %jit3A_589 : i32
      %rem3A_594 = arith.remsi %add3A_564, %select_n3A_593 : i32
      %ne3A_595 = arith.constant 0 : i32
      %ne3A_596 = arith.cmpi ne, %rem3A_594, %ne3A_595 : i32
      %lt3A_597 = arith.constant 0 : i32
      %lt3A_598 = arith.cmpi slt, %rem3A_594, %lt3A_597 : i32
      %lt3A_599 = arith.constant 0 : i32
      %lt3A_600 = arith.cmpi slt, %select_n3A_593, %lt3A_599 : i32
      %ne3A_601 = arith.xori %lt3A_598, %lt3A_600 : i1
      %and3A_602 = arith.andi %ne3A_601, %ne3A_596 : i1
      %add3A_603 = arith.addi %rem3A_594, %select_n3A_593 : i32
      %select_n3A_604 = arith.select %and3A_602, %add3A_603, %rem3A_594 : i32
      %mul3A_605 = arith.constant 64 : i32
      %mul3A_606 = arith.muli %select_n3A_604, %mul3A_605 : i32
      %dma_wait3A_607 = tpu.memref_slice %arg5[%select_n3A_588, %mul3A_606] : memref<50x128xi32, #tpu.memory_space<vmem>> -> memref<1x64xi32, #tpu.memory_space<vmem>>
      %dma_wait3A_608 = tpu.memref_squeeze %dma_wait3A_607 : memref<1x64xi32, #tpu.memory_space<vmem>> -> memref<64xi32, #tpu.memory_space<vmem>>
      %dma_wait3A_609 = arith.constant 0 : i32
      %dma_wait3A_610 = arith.constant 0 : i32
      %dma_wait3A_611 = tpu.memref_slice %arg3[%dma_wait3A_609, %dma_wait3A_610] : memref<100000x128xf32, #tpu.memory_space<hbm>> -> memref<100000x128xf32, #tpu.memory_space<hbm>>
      tpu.wait_indirect_dma semaphore(%arg21 : memref<!tpu.dma_semaphore, #tpu.memory_space<semaphore_mem>>) src(%dma_wait3A_611 : memref<100000x128xf32, #tpu.memory_space<hbm>>) dst(%arg11 : memref<64x128xf32, #tpu.memory_space<vmem>>)
      %jit3A_612 = arith.constant 2 : i32
      %div3A_613 = arith.divsi %add3A_564, %jit3A_612 : i32
      %sign3A_614 = arith.constant 0 : i32
      %sign3A_615 = arith.cmpi sgt, %add3A_564, %sign3A_614 : i32
      %sign3A_616 = arith.extui %sign3A_615 : i1 to i32
      %sign3A_617 = arith.constant 0 : i32
      %sign3A_618 = arith.cmpi slt, %add3A_564, %sign3A_617 : i32
      %sign3A_619 = arith.extui %sign3A_618 : i1 to i32
      %sign3A_620 = arith.subi %sign3A_616, %sign3A_619 : i32
      %sign3A_621 = arith.constant 0 : i32
      %sign3A_622 = arith.cmpi sgt, %jit3A_612, %sign3A_621 : i32
      %sign3A_623 = arith.extui %sign3A_622 : i1 to i32
      %sign3A_624 = arith.constant 0 : i32
      %sign3A_625 = arith.cmpi slt, %jit3A_612, %sign3A_624 : i32
      %sign3A_626 = arith.extui %sign3A_625 : i1 to i32
      %sign3A_627 = arith.subi %sign3A_623, %sign3A_626 : i32
      %ne3A_628 = arith.cmpi ne, %sign3A_620, %sign3A_627 : i32
      %rem3A_629 = arith.remsi %add3A_564, %jit3A_612 : i32
      %ne3A_630 = arith.constant 0 : i32
      %ne3A_631 = arith.cmpi ne, %rem3A_629, %ne3A_630 : i32
      %and3A_632 = arith.andi %ne3A_628, %ne3A_631 : i1
      %sub3A_633 = arith.constant 1 : i32
      %sub3A_634 = arith.subi %div3A_613, %sub3A_633 : i32
      %select_n3A_635 = arith.select %and3A_632, %sub3A_634, %div3A_613 : i32
      %jit3A_636 = arith.constant 2 : i32
      %eq3A_637 = arith.constant 0 : i32
      %eq3A_638 = arith.cmpi eq, %jit3A_636, %eq3A_637 : i32
      %jit3A_639 = arith.constant 1 : i32
      %select_n3A_640 = arith.select %eq3A_638, %jit3A_639, %jit3A_636 : i32
      %rem3A_641 = arith.remsi %add3A_564, %select_n3A_640 : i32
      %ne3A_642 = arith.constant 0 : i32
      %ne3A_643 = arith.cmpi ne, %rem3A_641, %ne3A_642 : i32
      %lt3A_644 = arith.constant 0 : i32
      %lt3A_645 = arith.cmpi slt, %rem3A_641, %lt3A_644 : i32
      %lt3A_646 = arith.constant 0 : i32
      %lt3A_647 = arith.cmpi slt, %select_n3A_640, %lt3A_646 : i32
      %ne3A_648 = arith.xori %lt3A_645, %lt3A_647 : i1
      %and3A_649 = arith.andi %ne3A_648, %ne3A_643 : i1
      %add3A_650 = arith.addi %rem3A_641, %select_n3A_640 : i32
      %select_n3A_651 = arith.select %and3A_649, %add3A_650, %rem3A_641 : i32
      %mul3A_652 = arith.constant 64 : i32
      %mul3A_653 = arith.muli %select_n3A_651, %mul3A_652 : i32
      %add3A_654 = arith.addi %mul3A_2, %mul3A_653 : i32
      "tpu.region"() ({
        %run_scoped3A = tpu.sem_alloc : memref<!tpu.dma_semaphore, #tpu.memory_space<semaphore_mem>>
        %dma_start3A_1058 = arith.constant 0 : i32
        %dma_start3A_1059 = tpu.memref_slice %arg4[%select_n3A_635, %add3A_654, %dma_start3A_1058] : memref<50x4096x128xf32, #tpu.memory_space<hbm>> -> memref<1x64x128xf32, #tpu.memory_space<hbm>>
        %dma_start3A_1060 = tpu.memref_squeeze %dma_start3A_1059 : memref<1x64x128xf32, #tpu.memory_space<hbm>> -> memref<64x128xf32, #tpu.memory_space<hbm>>
        %dma_start3A_1061 = arith.constant 0 : i32
        %dma_start3A_1062 = tpu.memref_slice %arg4[%select_n3A_635, %add3A_654, %dma_start3A_1061] : memref<50x4096x128xf32, #tpu.memory_space<hbm>> -> memref<1x64x128xf32, #tpu.memory_space<hbm>>
        %dma_start3A_1063 = tpu.memref_squeeze %dma_start3A_1062 : memref<1x64x128xf32, #tpu.memory_space<hbm>> -> memref<64x128xf32, #tpu.memory_space<hbm>>
        tpu.enqueue_dma source(%arg11 : memref<64x128xf32, #tpu.memory_space<vmem>>) target(%dma_start3A_1063 : memref<64x128xf32, #tpu.memory_space<hbm>>) target_semaphore(%run_scoped3A : memref<!tpu.dma_semaphore, #tpu.memory_space<semaphore_mem>>)
        %dma_wait3A_1064 = arith.constant 0 : i32
        %dma_wait3A_1065 = tpu.memref_slice %arg4[%select_n3A_635, %add3A_654, %dma_wait3A_1064] : memref<50x4096x128xf32, #tpu.memory_space<hbm>> -> memref<1x64x128xf32, #tpu.memory_space<hbm>>
        %dma_wait3A_1066 = tpu.memref_squeeze %dma_wait3A_1065 : memref<1x64x128xf32, #tpu.memory_space<hbm>> -> memref<64x128xf32, #tpu.memory_space<hbm>>
        %dma_wait3A_1067 = arith.constant 0 : i32
        %dma_wait3A_1068 = tpu.memref_slice %arg4[%select_n3A_635, %add3A_654, %dma_wait3A_1067] : memref<50x4096x128xf32, #tpu.memory_space<hbm>> -> memref<1x64x128xf32, #tpu.memory_space<hbm>>
        %dma_wait3A_1069 = tpu.memref_squeeze %dma_wait3A_1068 : memref<1x64x128xf32, #tpu.memory_space<hbm>> -> memref<64x128xf32, #tpu.memory_space<hbm>>
        tpu.wait_dma2 semaphore(%run_scoped3A : memref<!tpu.dma_semaphore, #tpu.memory_space<semaphore_mem>>) src(%arg11 : memref<64x128xf32, #tpu.memory_space<vmem>>) dst(%dma_wait3A_1069 : memref<64x128xf32, #tpu.memory_space<hbm>>)
        tpu.yield
      }) : () -> ()
      %add3A_655 = arith.constant 10 : i32
      %add3A_656 = arith.addi %add3A_564, %add3A_655 : i32
      %lt3A_657 = arith.constant 100 : i32
      %lt3A_658 = arith.cmpi slt, %add3A_656, %lt3A_657 : i32
      %convert_element_type3A_659 = arith.extui %lt3A_658 : i1 to i32
      %cond3A_660 = arith.constant 0 : i32
      %cond3A_661 = arith.cmpi ne, %convert_element_type3A_659, %cond3A_660 : i32
      scf.if %cond3A_661 {
        %add3A_1058 = arith.constant 10 : i32
        %add3A_1059 = arith.addi %add3A_564, %add3A_1058 : i32
        %jit3A_1060 = arith.constant 2 : i32
        %div3A_1061 = arith.divsi %add3A_1059, %jit3A_1060 : i32
        %sign3A_1062 = arith.constant 0 : i32
        %sign3A_1063 = arith.cmpi sgt, %add3A_1059, %sign3A_1062 : i32
        %sign3A_1064 = arith.extui %sign3A_1063 : i1 to i32
        %sign3A_1065 = arith.constant 0 : i32
        %sign3A_1066 = arith.cmpi slt, %add3A_1059, %sign3A_1065 : i32
        %sign3A_1067 = arith.extui %sign3A_1066 : i1 to i32
        %sign3A_1068 = arith.subi %sign3A_1064, %sign3A_1067 : i32
        %sign3A_1069 = arith.constant 0 : i32
        %sign3A_1070 = arith.cmpi sgt, %jit3A_1060, %sign3A_1069 : i32
        %sign3A_1071 = arith.extui %sign3A_1070 : i1 to i32
        %sign3A_1072 = arith.constant 0 : i32
        %sign3A_1073 = arith.cmpi slt, %jit3A_1060, %sign3A_1072 : i32
        %sign3A_1074 = arith.extui %sign3A_1073 : i1 to i32
        %sign3A_1075 = arith.subi %sign3A_1071, %sign3A_1074 : i32
        %ne3A_1076 = arith.cmpi ne, %sign3A_1068, %sign3A_1075 : i32
        %rem3A_1077 = arith.remsi %add3A_1059, %jit3A_1060 : i32
        %ne3A_1078 = arith.constant 0 : i32
        %ne3A_1079 = arith.cmpi ne, %rem3A_1077, %ne3A_1078 : i32
        %and3A_1080 = arith.andi %ne3A_1076, %ne3A_1079 : i1
        %sub3A_1081 = arith.constant 1 : i32
        %sub3A_1082 = arith.subi %div3A_1061, %sub3A_1081 : i32
        %select_n3A_1083 = arith.select %and3A_1080, %sub3A_1082, %div3A_1061 : i32
        %jit3A_1084 = arith.constant 2 : i32
        %eq3A_1085 = arith.constant 0 : i32
        %eq3A_1086 = arith.cmpi eq, %jit3A_1084, %eq3A_1085 : i32
        %jit3A_1087 = arith.constant 1 : i32
        %select_n3A_1088 = arith.select %eq3A_1086, %jit3A_1087, %jit3A_1084 : i32
        %rem3A_1089 = arith.remsi %add3A_1059, %select_n3A_1088 : i32
        %ne3A_1090 = arith.constant 0 : i32
        %ne3A_1091 = arith.cmpi ne, %rem3A_1089, %ne3A_1090 : i32
        %lt3A_1092 = arith.constant 0 : i32
        %lt3A_1093 = arith.cmpi slt, %rem3A_1089, %lt3A_1092 : i32
        %lt3A_1094 = arith.constant 0 : i32
        %lt3A_1095 = arith.cmpi slt, %select_n3A_1088, %lt3A_1094 : i32
        %ne3A_1096 = arith.xori %lt3A_1093, %lt3A_1095 : i1
        %and3A_1097 = arith.andi %ne3A_1096, %ne3A_1091 : i1
        %add3A_1098 = arith.addi %rem3A_1089, %select_n3A_1088 : i32
        %select_n3A_1099 = arith.select %and3A_1097, %add3A_1098, %rem3A_1089 : i32
        %mul3A_1100 = arith.constant 64 : i32
        %mul3A_1101 = arith.muli %select_n3A_1099, %mul3A_1100 : i32
        %dma_start3A_1102 = tpu.memref_slice %arg5[%select_n3A_1083, %mul3A_1101] : memref<50x128xi32, #tpu.memory_space<vmem>> -> memref<1x64xi32, #tpu.memory_space<vmem>>
        %dma_start3A_1103 = tpu.memref_squeeze %dma_start3A_1102 : memref<1x64xi32, #tpu.memory_space<vmem>> -> memref<64xi32, #tpu.memory_space<vmem>>
        %dma_start3A_1104 = arith.constant 0 : i32
        %dma_start3A_1105 = arith.constant 0 : i32
        %dma_start3A_1106 = tpu.memref_slice %arg3[%dma_start3A_1104, %dma_start3A_1105] : memref<100000x128xf32, #tpu.memory_space<hbm>> -> memref<100000x128xf32, #tpu.memory_space<hbm>>
        tpu.enqueue_indirect_dma source(%dma_start3A_1106 : memref<100000x128xf32, #tpu.memory_space<hbm>>) target(%arg11 : memref<64x128xf32, #tpu.memory_space<vmem>>) offsets(%dma_start3A_1103 : memref<64xi32, #tpu.memory_space<vmem>>) semaphore(%arg21 : memref<!tpu.dma_semaphore, #tpu.memory_space<semaphore_mem>>)
      } else {
      }
      %add3A_662 = arith.constant 6 : i32
      %add3A_663 = arith.addi %add3A_80, %add3A_662 : i32
      %jit3A_664 = arith.constant 2 : i32
      %div3A_665 = arith.divsi %add3A_663, %jit3A_664 : i32
      %sign3A_666 = arith.constant 0 : i32
      %sign3A_667 = arith.cmpi sgt, %add3A_663, %sign3A_666 : i32
      %sign3A_668 = arith.extui %sign3A_667 : i1 to i32
      %sign3A_669 = arith.constant 0 : i32
      %sign3A_670 = arith.cmpi slt, %add3A_663, %sign3A_669 : i32
      %sign3A_671 = arith.extui %sign3A_670 : i1 to i32
      %sign3A_672 = arith.subi %sign3A_668, %sign3A_671 : i32
      %sign3A_673 = arith.constant 0 : i32
      %sign3A_674 = arith.cmpi sgt, %jit3A_664, %sign3A_673 : i32
      %sign3A_675 = arith.extui %sign3A_674 : i1 to i32
      %sign3A_676 = arith.constant 0 : i32
      %sign3A_677 = arith.cmpi slt, %jit3A_664, %sign3A_676 : i32
      %sign3A_678 = arith.extui %sign3A_677 : i1 to i32
      %sign3A_679 = arith.subi %sign3A_675, %sign3A_678 : i32
      %ne3A_680 = arith.cmpi ne, %sign3A_672, %sign3A_679 : i32
      %rem3A_681 = arith.remsi %add3A_663, %jit3A_664 : i32
      %ne3A_682 = arith.constant 0 : i32
      %ne3A_683 = arith.cmpi ne, %rem3A_681, %ne3A_682 : i32
      %and3A_684 = arith.andi %ne3A_680, %ne3A_683 : i1
      %sub3A_685 = arith.constant 1 : i32
      %sub3A_686 = arith.subi %div3A_665, %sub3A_685 : i32
      %select_n3A_687 = arith.select %and3A_684, %sub3A_686, %div3A_665 : i32
      %jit3A_688 = arith.constant 2 : i32
      %eq3A_689 = arith.constant 0 : i32
      %eq3A_690 = arith.cmpi eq, %jit3A_688, %eq3A_689 : i32
      %jit3A_691 = arith.constant 1 : i32
      %select_n3A_692 = arith.select %eq3A_690, %jit3A_691, %jit3A_688 : i32
      %rem3A_693 = arith.remsi %add3A_663, %select_n3A_692 : i32
      %ne3A_694 = arith.constant 0 : i32
      %ne3A_695 = arith.cmpi ne, %rem3A_693, %ne3A_694 : i32
      %lt3A_696 = arith.constant 0 : i32
      %lt3A_697 = arith.cmpi slt, %rem3A_693, %lt3A_696 : i32
      %lt3A_698 = arith.constant 0 : i32
      %lt3A_699 = arith.cmpi slt, %select_n3A_692, %lt3A_698 : i32
      %ne3A_700 = arith.xori %lt3A_697, %lt3A_699 : i1
      %and3A_701 = arith.andi %ne3A_700, %ne3A_695 : i1
      %add3A_702 = arith.addi %rem3A_693, %select_n3A_692 : i32
      %select_n3A_703 = arith.select %and3A_701, %add3A_702, %rem3A_693 : i32
      %mul3A_704 = arith.constant 64 : i32
      %mul3A_705 = arith.muli %select_n3A_703, %mul3A_704 : i32
      %dma_wait3A_706 = tpu.memref_slice %arg5[%select_n3A_687, %mul3A_705] : memref<50x128xi32, #tpu.memory_space<vmem>> -> memref<1x64xi32, #tpu.memory_space<vmem>>
      %dma_wait3A_707 = tpu.memref_squeeze %dma_wait3A_706 : memref<1x64xi32, #tpu.memory_space<vmem>> -> memref<64xi32, #tpu.memory_space<vmem>>
      %dma_wait3A_708 = arith.constant 0 : i32
      %dma_wait3A_709 = arith.constant 0 : i32
      %dma_wait3A_710 = tpu.memref_slice %arg3[%dma_wait3A_708, %dma_wait3A_709] : memref<100000x128xf32, #tpu.memory_space<hbm>> -> memref<100000x128xf32, #tpu.memory_space<hbm>>
      tpu.wait_indirect_dma semaphore(%arg22 : memref<!tpu.dma_semaphore, #tpu.memory_space<semaphore_mem>>) src(%dma_wait3A_710 : memref<100000x128xf32, #tpu.memory_space<hbm>>) dst(%arg12 : memref<64x128xf32, #tpu.memory_space<vmem>>)
      %jit3A_711 = arith.constant 2 : i32
      %div3A_712 = arith.divsi %add3A_663, %jit3A_711 : i32
      %sign3A_713 = arith.constant 0 : i32
      %sign3A_714 = arith.cmpi sgt, %add3A_663, %sign3A_713 : i32
      %sign3A_715 = arith.extui %sign3A_714 : i1 to i32
      %sign3A_716 = arith.constant 0 : i32
      %sign3A_717 = arith.cmpi slt, %add3A_663, %sign3A_716 : i32
      %sign3A_718 = arith.extui %sign3A_717 : i1 to i32
      %sign3A_719 = arith.subi %sign3A_715, %sign3A_718 : i32
      %sign3A_720 = arith.constant 0 : i32
      %sign3A_721 = arith.cmpi sgt, %jit3A_711, %sign3A_720 : i32
      %sign3A_722 = arith.extui %sign3A_721 : i1 to i32
      %sign3A_723 = arith.constant 0 : i32
      %sign3A_724 = arith.cmpi slt, %jit3A_711, %sign3A_723 : i32
      %sign3A_725 = arith.extui %sign3A_724 : i1 to i32
      %sign3A_726 = arith.subi %sign3A_722, %sign3A_725 : i32
      %ne3A_727 = arith.cmpi ne, %sign3A_719, %sign3A_726 : i32
      %rem3A_728 = arith.remsi %add3A_663, %jit3A_711 : i32
      %ne3A_729 = arith.constant 0 : i32
      %ne3A_730 = arith.cmpi ne, %rem3A_728, %ne3A_729 : i32
      %and3A_731 = arith.andi %ne3A_727, %ne3A_730 : i1
      %sub3A_732 = arith.constant 1 : i32
      %sub3A_733 = arith.subi %div3A_712, %sub3A_732 : i32
      %select_n3A_734 = arith.select %and3A_731, %sub3A_733, %div3A_712 : i32
      %jit3A_735 = arith.constant 2 : i32
      %eq3A_736 = arith.constant 0 : i32
      %eq3A_737 = arith.cmpi eq, %jit3A_735, %eq3A_736 : i32
      %jit3A_738 = arith.constant 1 : i32
      %select_n3A_739 = arith.select %eq3A_737, %jit3A_738, %jit3A_735 : i32
      %rem3A_740 = arith.remsi %add3A_663, %select_n3A_739 : i32
      %ne3A_741 = arith.constant 0 : i32
      %ne3A_742 = arith.cmpi ne, %rem3A_740, %ne3A_741 : i32
      %lt3A_743 = arith.constant 0 : i32
      %lt3A_744 = arith.cmpi slt, %rem3A_740, %lt3A_743 : i32
      %lt3A_745 = arith.constant 0 : i32
      %lt3A_746 = arith.cmpi slt, %select_n3A_739, %lt3A_745 : i32
      %ne3A_747 = arith.xori %lt3A_744, %lt3A_746 : i1
      %and3A_748 = arith.andi %ne3A_747, %ne3A_742 : i1
      %add3A_749 = arith.addi %rem3A_740, %select_n3A_739 : i32
      %select_n3A_750 = arith.select %and3A_748, %add3A_749, %rem3A_740 : i32
      %mul3A_751 = arith.constant 64 : i32
      %mul3A_752 = arith.muli %select_n3A_750, %mul3A_751 : i32
      %add3A_753 = arith.addi %mul3A_2, %mul3A_752 : i32
      "tpu.region"() ({
        %run_scoped3A = tpu.sem_alloc : memref<!tpu.dma_semaphore, #tpu.memory_space<semaphore_mem>>
        %dma_start3A_1058 = arith.constant 0 : i32
        %dma_start3A_1059 = tpu.memref_slice %arg4[%select_n3A_734, %add3A_753, %dma_start3A_1058] : memref<50x4096x128xf32, #tpu.memory_space<hbm>> -> memref<1x64x128xf32, #tpu.memory_space<hbm>>
        %dma_start3A_1060 = tpu.memref_squeeze %dma_start3A_1059 : memref<1x64x128xf32, #tpu.memory_space<hbm>> -> memref<64x128xf32, #tpu.memory_space<hbm>>
        %dma_start3A_1061 = arith.constant 0 : i32
        %dma_start3A_1062 = tpu.memref_slice %arg4[%select_n3A_734, %add3A_753, %dma_start3A_1061] : memref<50x4096x128xf32, #tpu.memory_space<hbm>> -> memref<1x64x128xf32, #tpu.memory_space<hbm>>
        %dma_start3A_1063 = tpu.memref_squeeze %dma_start3A_1062 : memref<1x64x128xf32, #tpu.memory_space<hbm>> -> memref<64x128xf32, #tpu.memory_space<hbm>>
        tpu.enqueue_dma source(%arg12 : memref<64x128xf32, #tpu.memory_space<vmem>>) target(%dma_start3A_1063 : memref<64x128xf32, #tpu.memory_space<hbm>>) target_semaphore(%run_scoped3A : memref<!tpu.dma_semaphore, #tpu.memory_space<semaphore_mem>>)
        %dma_wait3A_1064 = arith.constant 0 : i32
        %dma_wait3A_1065 = tpu.memref_slice %arg4[%select_n3A_734, %add3A_753, %dma_wait3A_1064] : memref<50x4096x128xf32, #tpu.memory_space<hbm>> -> memref<1x64x128xf32, #tpu.memory_space<hbm>>
        %dma_wait3A_1066 = tpu.memref_squeeze %dma_wait3A_1065 : memref<1x64x128xf32, #tpu.memory_space<hbm>> -> memref<64x128xf32, #tpu.memory_space<hbm>>
        %dma_wait3A_1067 = arith.constant 0 : i32
        %dma_wait3A_1068 = tpu.memref_slice %arg4[%select_n3A_734, %add3A_753, %dma_wait3A_1067] : memref<50x4096x128xf32, #tpu.memory_space<hbm>> -> memref<1x64x128xf32, #tpu.memory_space<hbm>>
        %dma_wait3A_1069 = tpu.memref_squeeze %dma_wait3A_1068 : memref<1x64x128xf32, #tpu.memory_space<hbm>> -> memref<64x128xf32, #tpu.memory_space<hbm>>
        tpu.wait_dma2 semaphore(%run_scoped3A : memref<!tpu.dma_semaphore, #tpu.memory_space<semaphore_mem>>) src(%arg12 : memref<64x128xf32, #tpu.memory_space<vmem>>) dst(%dma_wait3A_1069 : memref<64x128xf32, #tpu.memory_space<hbm>>)
        tpu.yield
      }) : () -> ()
      %add3A_754 = arith.constant 10 : i32
      %add3A_755 = arith.addi %add3A_663, %add3A_754 : i32
      %lt3A_756 = arith.constant 100 : i32
      %lt3A_757 = arith.cmpi slt, %add3A_755, %lt3A_756 : i32
      %convert_element_type3A_758 = arith.extui %lt3A_757 : i1 to i32
      %cond3A_759 = arith.constant 0 : i32
      %cond3A_760 = arith.cmpi ne, %convert_element_type3A_758, %cond3A_759 : i32
      scf.if %cond3A_760 {
        %add3A_1058 = arith.constant 10 : i32
        %add3A_1059 = arith.addi %add3A_663, %add3A_1058 : i32
        %jit3A_1060 = arith.constant 2 : i32
        %div3A_1061 = arith.divsi %add3A_1059, %jit3A_1060 : i32
        %sign3A_1062 = arith.constant 0 : i32
        %sign3A_1063 = arith.cmpi sgt, %add3A_1059, %sign3A_1062 : i32
        %sign3A_1064 = arith.extui %sign3A_1063 : i1 to i32
        %sign3A_1065 = arith.constant 0 : i32
        %sign3A_1066 = arith.cmpi slt, %add3A_1059, %sign3A_1065 : i32
        %sign3A_1067 = arith.extui %sign3A_1066 : i1 to i32
        %sign3A_1068 = arith.subi %sign3A_1064, %sign3A_1067 : i32
        %sign3A_1069 = arith.constant 0 : i32
        %sign3A_1070 = arith.cmpi sgt, %jit3A_1060, %sign3A_1069 : i32
        %sign3A_1071 = arith.extui %sign3A_1070 : i1 to i32
        %sign3A_1072 = arith.constant 0 : i32
        %sign3A_1073 = arith.cmpi slt, %jit3A_1060, %sign3A_1072 : i32
        %sign3A_1074 = arith.extui %sign3A_1073 : i1 to i32
        %sign3A_1075 = arith.subi %sign3A_1071, %sign3A_1074 : i32
        %ne3A_1076 = arith.cmpi ne, %sign3A_1068, %sign3A_1075 : i32
        %rem3A_1077 = arith.remsi %add3A_1059, %jit3A_1060 : i32
        %ne3A_1078 = arith.constant 0 : i32
        %ne3A_1079 = arith.cmpi ne, %rem3A_1077, %ne3A_1078 : i32
        %and3A_1080 = arith.andi %ne3A_1076, %ne3A_1079 : i1
        %sub3A_1081 = arith.constant 1 : i32
        %sub3A_1082 = arith.subi %div3A_1061, %sub3A_1081 : i32
        %select_n3A_1083 = arith.select %and3A_1080, %sub3A_1082, %div3A_1061 : i32
        %jit3A_1084 = arith.constant 2 : i32
        %eq3A_1085 = arith.constant 0 : i32
        %eq3A_1086 = arith.cmpi eq, %jit3A_1084, %eq3A_1085 : i32
        %jit3A_1087 = arith.constant 1 : i32
        %select_n3A_1088 = arith.select %eq3A_1086, %jit3A_1087, %jit3A_1084 : i32
        %rem3A_1089 = arith.remsi %add3A_1059, %select_n3A_1088 : i32
        %ne3A_1090 = arith.constant 0 : i32
        %ne3A_1091 = arith.cmpi ne, %rem3A_1089, %ne3A_1090 : i32
        %lt3A_1092 = arith.constant 0 : i32
        %lt3A_1093 = arith.cmpi slt, %rem3A_1089, %lt3A_1092 : i32
        %lt3A_1094 = arith.constant 0 : i32
        %lt3A_1095 = arith.cmpi slt, %select_n3A_1088, %lt3A_1094 : i32
        %ne3A_1096 = arith.xori %lt3A_1093, %lt3A_1095 : i1
        %and3A_1097 = arith.andi %ne3A_1096, %ne3A_1091 : i1
        %add3A_1098 = arith.addi %rem3A_1089, %select_n3A_1088 : i32
        %select_n3A_1099 = arith.select %and3A_1097, %add3A_1098, %rem3A_1089 : i32
        %mul3A_1100 = arith.constant 64 : i32
        %mul3A_1101 = arith.muli %select_n3A_1099, %mul3A_1100 : i32
        %dma_start3A_1102 = tpu.memref_slice %arg5[%select_n3A_1083, %mul3A_1101] : memref<50x128xi32, #tpu.memory_space<vmem>> -> memref<1x64xi32, #tpu.memory_space<vmem>>
        %dma_start3A_1103 = tpu.memref_squeeze %dma_start3A_1102 : memref<1x64xi32, #tpu.memory_space<vmem>> -> memref<64xi32, #tpu.memory_space<vmem>>
        %dma_start3A_1104 = arith.constant 0 : i32
        %dma_start3A_1105 = arith.constant 0 : i32
        %dma_start3A_1106 = tpu.memref_slice %arg3[%dma_start3A_1104, %dma_start3A_1105] : memref<100000x128xf32, #tpu.memory_space<hbm>> -> memref<100000x128xf32, #tpu.memory_space<hbm>>
        tpu.enqueue_indirect_dma source(%dma_start3A_1106 : memref<100000x128xf32, #tpu.memory_space<hbm>>) target(%arg12 : memref<64x128xf32, #tpu.memory_space<vmem>>) offsets(%dma_start3A_1103 : memref<64xi32, #tpu.memory_space<vmem>>) semaphore(%arg22 : memref<!tpu.dma_semaphore, #tpu.memory_space<semaphore_mem>>)
      } else {
      }
      %add3A_761 = arith.constant 7 : i32
      %add3A_762 = arith.addi %add3A_80, %add3A_761 : i32
      %jit3A_763 = arith.constant 2 : i32
      %div3A_764 = arith.divsi %add3A_762, %jit3A_763 : i32
      %sign3A_765 = arith.constant 0 : i32
      %sign3A_766 = arith.cmpi sgt, %add3A_762, %sign3A_765 : i32
      %sign3A_767 = arith.extui %sign3A_766 : i1 to i32
      %sign3A_768 = arith.constant 0 : i32
      %sign3A_769 = arith.cmpi slt, %add3A_762, %sign3A_768 : i32
      %sign3A_770 = arith.extui %sign3A_769 : i1 to i32
      %sign3A_771 = arith.subi %sign3A_767, %sign3A_770 : i32
      %sign3A_772 = arith.constant 0 : i32
      %sign3A_773 = arith.cmpi sgt, %jit3A_763, %sign3A_772 : i32
      %sign3A_774 = arith.extui %sign3A_773 : i1 to i32
      %sign3A_775 = arith.constant 0 : i32
      %sign3A_776 = arith.cmpi slt, %jit3A_763, %sign3A_775 : i32
      %sign3A_777 = arith.extui %sign3A_776 : i1 to i32
      %sign3A_778 = arith.subi %sign3A_774, %sign3A_777 : i32
      %ne3A_779 = arith.cmpi ne, %sign3A_771, %sign3A_778 : i32
      %rem3A_780 = arith.remsi %add3A_762, %jit3A_763 : i32
      %ne3A_781 = arith.constant 0 : i32
      %ne3A_782 = arith.cmpi ne, %rem3A_780, %ne3A_781 : i32
      %and3A_783 = arith.andi %ne3A_779, %ne3A_782 : i1
      %sub3A_784 = arith.constant 1 : i32
      %sub3A_785 = arith.subi %div3A_764, %sub3A_784 : i32
      %select_n3A_786 = arith.select %and3A_783, %sub3A_785, %div3A_764 : i32
      %jit3A_787 = arith.constant 2 : i32
      %eq3A_788 = arith.constant 0 : i32
      %eq3A_789 = arith.cmpi eq, %jit3A_787, %eq3A_788 : i32
      %jit3A_790 = arith.constant 1 : i32
      %select_n3A_791 = arith.select %eq3A_789, %jit3A_790, %jit3A_787 : i32
      %rem3A_792 = arith.remsi %add3A_762, %select_n3A_791 : i32
      %ne3A_793 = arith.constant 0 : i32
      %ne3A_794 = arith.cmpi ne, %rem3A_792, %ne3A_793 : i32
      %lt3A_795 = arith.constant 0 : i32
      %lt3A_796 = arith.cmpi slt, %rem3A_792, %lt3A_795 : i32
      %lt3A_797 = arith.constant 0 : i32
      %lt3A_798 = arith.cmpi slt, %select_n3A_791, %lt3A_797 : i32
      %ne3A_799 = arith.xori %lt3A_796, %lt3A_798 : i1
      %and3A_800 = arith.andi %ne3A_799, %ne3A_794 : i1
      %add3A_801 = arith.addi %rem3A_792, %select_n3A_791 : i32
      %select_n3A_802 = arith.select %and3A_800, %add3A_801, %rem3A_792 : i32
      %mul3A_803 = arith.constant 64 : i32
      %mul3A_804 = arith.muli %select_n3A_802, %mul3A_803 : i32
      %dma_wait3A_805 = tpu.memref_slice %arg5[%select_n3A_786, %mul3A_804] : memref<50x128xi32, #tpu.memory_space<vmem>> -> memref<1x64xi32, #tpu.memory_space<vmem>>
      %dma_wait3A_806 = tpu.memref_squeeze %dma_wait3A_805 : memref<1x64xi32, #tpu.memory_space<vmem>> -> memref<64xi32, #tpu.memory_space<vmem>>
      %dma_wait3A_807 = arith.constant 0 : i32
      %dma_wait3A_808 = arith.constant 0 : i32
      %dma_wait3A_809 = tpu.memref_slice %arg3[%dma_wait3A_807, %dma_wait3A_808] : memref<100000x128xf32, #tpu.memory_space<hbm>> -> memref<100000x128xf32, #tpu.memory_space<hbm>>
      tpu.wait_indirect_dma semaphore(%arg23 : memref<!tpu.dma_semaphore, #tpu.memory_space<semaphore_mem>>) src(%dma_wait3A_809 : memref<100000x128xf32, #tpu.memory_space<hbm>>) dst(%arg13 : memref<64x128xf32, #tpu.memory_space<vmem>>)
      %jit3A_810 = arith.constant 2 : i32
      %div3A_811 = arith.divsi %add3A_762, %jit3A_810 : i32
      %sign3A_812 = arith.constant 0 : i32
      %sign3A_813 = arith.cmpi sgt, %add3A_762, %sign3A_812 : i32
      %sign3A_814 = arith.extui %sign3A_813 : i1 to i32
      %sign3A_815 = arith.constant 0 : i32
      %sign3A_816 = arith.cmpi slt, %add3A_762, %sign3A_815 : i32
      %sign3A_817 = arith.extui %sign3A_816 : i1 to i32
      %sign3A_818 = arith.subi %sign3A_814, %sign3A_817 : i32
      %sign3A_819 = arith.constant 0 : i32
      %sign3A_820 = arith.cmpi sgt, %jit3A_810, %sign3A_819 : i32
      %sign3A_821 = arith.extui %sign3A_820 : i1 to i32
      %sign3A_822 = arith.constant 0 : i32
      %sign3A_823 = arith.cmpi slt, %jit3A_810, %sign3A_822 : i32
      %sign3A_824 = arith.extui %sign3A_823 : i1 to i32
      %sign3A_825 = arith.subi %sign3A_821, %sign3A_824 : i32
      %ne3A_826 = arith.cmpi ne, %sign3A_818, %sign3A_825 : i32
      %rem3A_827 = arith.remsi %add3A_762, %jit3A_810 : i32
      %ne3A_828 = arith.constant 0 : i32
      %ne3A_829 = arith.cmpi ne, %rem3A_827, %ne3A_828 : i32
      %and3A_830 = arith.andi %ne3A_826, %ne3A_829 : i1
      %sub3A_831 = arith.constant 1 : i32
      %sub3A_832 = arith.subi %div3A_811, %sub3A_831 : i32
      %select_n3A_833 = arith.select %and3A_830, %sub3A_832, %div3A_811 : i32
      %jit3A_834 = arith.constant 2 : i32
      %eq3A_835 = arith.constant 0 : i32
      %eq3A_836 = arith.cmpi eq, %jit3A_834, %eq3A_835 : i32
      %jit3A_837 = arith.constant 1 : i32
      %select_n3A_838 = arith.select %eq3A_836, %jit3A_837, %jit3A_834 : i32
      %rem3A_839 = arith.remsi %add3A_762, %select_n3A_838 : i32
      %ne3A_840 = arith.constant 0 : i32
      %ne3A_841 = arith.cmpi ne, %rem3A_839, %ne3A_840 : i32
      %lt3A_842 = arith.constant 0 : i32
      %lt3A_843 = arith.cmpi slt, %rem3A_839, %lt3A_842 : i32
      %lt3A_844 = arith.constant 0 : i32
      %lt3A_845 = arith.cmpi slt, %select_n3A_838, %lt3A_844 : i32
      %ne3A_846 = arith.xori %lt3A_843, %lt3A_845 : i1
      %and3A_847 = arith.andi %ne3A_846, %ne3A_841 : i1
      %add3A_848 = arith.addi %rem3A_839, %select_n3A_838 : i32
      %select_n3A_849 = arith.select %and3A_847, %add3A_848, %rem3A_839 : i32
      %mul3A_850 = arith.constant 64 : i32
      %mul3A_851 = arith.muli %select_n3A_849, %mul3A_850 : i32
      %add3A_852 = arith.addi %mul3A_2, %mul3A_851 : i32
      "tpu.region"() ({
        %run_scoped3A = tpu.sem_alloc : memref<!tpu.dma_semaphore, #tpu.memory_space<semaphore_mem>>
        %dma_start3A_1058 = arith.constant 0 : i32
        %dma_start3A_1059 = tpu.memref_slice %arg4[%select_n3A_833, %add3A_852, %dma_start3A_1058] : memref<50x4096x128xf32, #tpu.memory_space<hbm>> -> memref<1x64x128xf32, #tpu.memory_space<hbm>>
        %dma_start3A_1060 = tpu.memref_squeeze %dma_start3A_1059 : memref<1x64x128xf32, #tpu.memory_space<hbm>> -> memref<64x128xf32, #tpu.memory_space<hbm>>
        %dma_start3A_1061 = arith.constant 0 : i32
        %dma_start3A_1062 = tpu.memref_slice %arg4[%select_n3A_833, %add3A_852, %dma_start3A_1061] : memref<50x4096x128xf32, #tpu.memory_space<hbm>> -> memref<1x64x128xf32, #tpu.memory_space<hbm>>
        %dma_start3A_1063 = tpu.memref_squeeze %dma_start3A_1062 : memref<1x64x128xf32, #tpu.memory_space<hbm>> -> memref<64x128xf32, #tpu.memory_space<hbm>>
        tpu.enqueue_dma source(%arg13 : memref<64x128xf32, #tpu.memory_space<vmem>>) target(%dma_start3A_1063 : memref<64x128xf32, #tpu.memory_space<hbm>>) target_semaphore(%run_scoped3A : memref<!tpu.dma_semaphore, #tpu.memory_space<semaphore_mem>>)
        %dma_wait3A_1064 = arith.constant 0 : i32
        %dma_wait3A_1065 = tpu.memref_slice %arg4[%select_n3A_833, %add3A_852, %dma_wait3A_1064] : memref<50x4096x128xf32, #tpu.memory_space<hbm>> -> memref<1x64x128xf32, #tpu.memory_space<hbm>>
        %dma_wait3A_1066 = tpu.memref_squeeze %dma_wait3A_1065 : memref<1x64x128xf32, #tpu.memory_space<hbm>> -> memref<64x128xf32, #tpu.memory_space<hbm>>
        %dma_wait3A_1067 = arith.constant 0 : i32
        %dma_wait3A_1068 = tpu.memref_slice %arg4[%select_n3A_833, %add3A_852, %dma_wait3A_1067] : memref<50x4096x128xf32, #tpu.memory_space<hbm>> -> memref<1x64x128xf32, #tpu.memory_space<hbm>>
        %dma_wait3A_1069 = tpu.memref_squeeze %dma_wait3A_1068 : memref<1x64x128xf32, #tpu.memory_space<hbm>> -> memref<64x128xf32, #tpu.memory_space<hbm>>
        tpu.wait_dma2 semaphore(%run_scoped3A : memref<!tpu.dma_semaphore, #tpu.memory_space<semaphore_mem>>) src(%arg13 : memref<64x128xf32, #tpu.memory_space<vmem>>) dst(%dma_wait3A_1069 : memref<64x128xf32, #tpu.memory_space<hbm>>)
        tpu.yield
      }) : () -> ()
      %add3A_853 = arith.constant 10 : i32
      %add3A_854 = arith.addi %add3A_762, %add3A_853 : i32
      %lt3A_855 = arith.constant 100 : i32
      %lt3A_856 = arith.cmpi slt, %add3A_854, %lt3A_855 : i32
      %convert_element_type3A_857 = arith.extui %lt3A_856 : i1 to i32
      %cond3A_858 = arith.constant 0 : i32
      %cond3A_859 = arith.cmpi ne, %convert_element_type3A_857, %cond3A_858 : i32
      scf.if %cond3A_859 {
        %add3A_1058 = arith.constant 10 : i32
        %add3A_1059 = arith.addi %add3A_762, %add3A_1058 : i32
        %jit3A_1060 = arith.constant 2 : i32
        %div3A_1061 = arith.divsi %add3A_1059, %jit3A_1060 : i32
        %sign3A_1062 = arith.constant 0 : i32
        %sign3A_1063 = arith.cmpi sgt, %add3A_1059, %sign3A_1062 : i32
        %sign3A_1064 = arith.extui %sign3A_1063 : i1 to i32
        %sign3A_1065 = arith.constant 0 : i32
        %sign3A_1066 = arith.cmpi slt, %add3A_1059, %sign3A_1065 : i32
        %sign3A_1067 = arith.extui %sign3A_1066 : i1 to i32
        %sign3A_1068 = arith.subi %sign3A_1064, %sign3A_1067 : i32
        %sign3A_1069 = arith.constant 0 : i32
        %sign3A_1070 = arith.cmpi sgt, %jit3A_1060, %sign3A_1069 : i32
        %sign3A_1071 = arith.extui %sign3A_1070 : i1 to i32
        %sign3A_1072 = arith.constant 0 : i32
        %sign3A_1073 = arith.cmpi slt, %jit3A_1060, %sign3A_1072 : i32
        %sign3A_1074 = arith.extui %sign3A_1073 : i1 to i32
        %sign3A_1075 = arith.subi %sign3A_1071, %sign3A_1074 : i32
        %ne3A_1076 = arith.cmpi ne, %sign3A_1068, %sign3A_1075 : i32
        %rem3A_1077 = arith.remsi %add3A_1059, %jit3A_1060 : i32
        %ne3A_1078 = arith.constant 0 : i32
        %ne3A_1079 = arith.cmpi ne, %rem3A_1077, %ne3A_1078 : i32
        %and3A_1080 = arith.andi %ne3A_1076, %ne3A_1079 : i1
        %sub3A_1081 = arith.constant 1 : i32
        %sub3A_1082 = arith.subi %div3A_1061, %sub3A_1081 : i32
        %select_n3A_1083 = arith.select %and3A_1080, %sub3A_1082, %div3A_1061 : i32
        %jit3A_1084 = arith.constant 2 : i32
        %eq3A_1085 = arith.constant 0 : i32
        %eq3A_1086 = arith.cmpi eq, %jit3A_1084, %eq3A_1085 : i32
        %jit3A_1087 = arith.constant 1 : i32
        %select_n3A_1088 = arith.select %eq3A_1086, %jit3A_1087, %jit3A_1084 : i32
        %rem3A_1089 = arith.remsi %add3A_1059, %select_n3A_1088 : i32
        %ne3A_1090 = arith.constant 0 : i32
        %ne3A_1091 = arith.cmpi ne, %rem3A_1089, %ne3A_1090 : i32
        %lt3A_1092 = arith.constant 0 : i32
        %lt3A_1093 = arith.cmpi slt, %rem3A_1089, %lt3A_1092 : i32
        %lt3A_1094 = arith.constant 0 : i32
        %lt3A_1095 = arith.cmpi slt, %select_n3A_1088, %lt3A_1094 : i32
        %ne3A_1096 = arith.xori %lt3A_1093, %lt3A_1095 : i1
        %and3A_1097 = arith.andi %ne3A_1096, %ne3A_1091 : i1
        %add3A_1098 = arith.addi %rem3A_1089, %select_n3A_1088 : i32
        %select_n3A_1099 = arith.select %and3A_1097, %add3A_1098, %rem3A_1089 : i32
        %mul3A_1100 = arith.constant 64 : i32
        %mul3A_1101 = arith.muli %select_n3A_1099, %mul3A_1100 : i32
        %dma_start3A_1102 = tpu.memref_slice %arg5[%select_n3A_1083, %mul3A_1101] : memref<50x128xi32, #tpu.memory_space<vmem>> -> memref<1x64xi32, #tpu.memory_space<vmem>>
        %dma_start3A_1103 = tpu.memref_squeeze %dma_start3A_1102 : memref<1x64xi32, #tpu.memory_space<vmem>> -> memref<64xi32, #tpu.memory_space<vmem>>
        %dma_start3A_1104 = arith.constant 0 : i32
        %dma_start3A_1105 = arith.constant 0 : i32
        %dma_start3A_1106 = tpu.memref_slice %arg3[%dma_start3A_1104, %dma_start3A_1105] : memref<100000x128xf32, #tpu.memory_space<hbm>> -> memref<100000x128xf32, #tpu.memory_space<hbm>>
        tpu.enqueue_indirect_dma source(%dma_start3A_1106 : memref<100000x128xf32, #tpu.memory_space<hbm>>) target(%arg13 : memref<64x128xf32, #tpu.memory_space<vmem>>) offsets(%dma_start3A_1103 : memref<64xi32, #tpu.memory_space<vmem>>) semaphore(%arg23 : memref<!tpu.dma_semaphore, #tpu.memory_space<semaphore_mem>>)
      } else {
      }
      %add3A_860 = arith.constant 8 : i32
      %add3A_861 = arith.addi %add3A_80, %add3A_860 : i32
      %jit3A_862 = arith.constant 2 : i32
      %div3A_863 = arith.divsi %add3A_861, %jit3A_862 : i32
      %sign3A_864 = arith.constant 0 : i32
      %sign3A_865 = arith.cmpi sgt, %add3A_861, %sign3A_864 : i32
      %sign3A_866 = arith.extui %sign3A_865 : i1 to i32
      %sign3A_867 = arith.constant 0 : i32
      %sign3A_868 = arith.cmpi slt, %add3A_861, %sign3A_867 : i32
      %sign3A_869 = arith.extui %sign3A_868 : i1 to i32
      %sign3A_870 = arith.subi %sign3A_866, %sign3A_869 : i32
      %sign3A_871 = arith.constant 0 : i32
      %sign3A_872 = arith.cmpi sgt, %jit3A_862, %sign3A_871 : i32
      %sign3A_873 = arith.extui %sign3A_872 : i1 to i32
      %sign3A_874 = arith.constant 0 : i32
      %sign3A_875 = arith.cmpi slt, %jit3A_862, %sign3A_874 : i32
      %sign3A_876 = arith.extui %sign3A_875 : i1 to i32
      %sign3A_877 = arith.subi %sign3A_873, %sign3A_876 : i32
      %ne3A_878 = arith.cmpi ne, %sign3A_870, %sign3A_877 : i32
      %rem3A_879 = arith.remsi %add3A_861, %jit3A_862 : i32
      %ne3A_880 = arith.constant 0 : i32
      %ne3A_881 = arith.cmpi ne, %rem3A_879, %ne3A_880 : i32
      %and3A_882 = arith.andi %ne3A_878, %ne3A_881 : i1
      %sub3A_883 = arith.constant 1 : i32
      %sub3A_884 = arith.subi %div3A_863, %sub3A_883 : i32
      %select_n3A_885 = arith.select %and3A_882, %sub3A_884, %div3A_863 : i32
      %jit3A_886 = arith.constant 2 : i32
      %eq3A_887 = arith.constant 0 : i32
      %eq3A_888 = arith.cmpi eq, %jit3A_886, %eq3A_887 : i32
      %jit3A_889 = arith.constant 1 : i32
      %select_n3A_890 = arith.select %eq3A_888, %jit3A_889, %jit3A_886 : i32
      %rem3A_891 = arith.remsi %add3A_861, %select_n3A_890 : i32
      %ne3A_892 = arith.constant 0 : i32
      %ne3A_893 = arith.cmpi ne, %rem3A_891, %ne3A_892 : i32
      %lt3A_894 = arith.constant 0 : i32
      %lt3A_895 = arith.cmpi slt, %rem3A_891, %lt3A_894 : i32
      %lt3A_896 = arith.constant 0 : i32
      %lt3A_897 = arith.cmpi slt, %select_n3A_890, %lt3A_896 : i32
      %ne3A_898 = arith.xori %lt3A_895, %lt3A_897 : i1
      %and3A_899 = arith.andi %ne3A_898, %ne3A_893 : i1
      %add3A_900 = arith.addi %rem3A_891, %select_n3A_890 : i32
      %select_n3A_901 = arith.select %and3A_899, %add3A_900, %rem3A_891 : i32
      %mul3A_902 = arith.constant 64 : i32
      %mul3A_903 = arith.muli %select_n3A_901, %mul3A_902 : i32
      %dma_wait3A_904 = tpu.memref_slice %arg5[%select_n3A_885, %mul3A_903] : memref<50x128xi32, #tpu.memory_space<vmem>> -> memref<1x64xi32, #tpu.memory_space<vmem>>
      %dma_wait3A_905 = tpu.memref_squeeze %dma_wait3A_904 : memref<1x64xi32, #tpu.memory_space<vmem>> -> memref<64xi32, #tpu.memory_space<vmem>>
      %dma_wait3A_906 = arith.constant 0 : i32
      %dma_wait3A_907 = arith.constant 0 : i32
      %dma_wait3A_908 = tpu.memref_slice %arg3[%dma_wait3A_906, %dma_wait3A_907] : memref<100000x128xf32, #tpu.memory_space<hbm>> -> memref<100000x128xf32, #tpu.memory_space<hbm>>
      tpu.wait_indirect_dma semaphore(%arg24 : memref<!tpu.dma_semaphore, #tpu.memory_space<semaphore_mem>>) src(%dma_wait3A_908 : memref<100000x128xf32, #tpu.memory_space<hbm>>) dst(%arg14 : memref<64x128xf32, #tpu.memory_space<vmem>>)
      %jit3A_909 = arith.constant 2 : i32
      %div3A_910 = arith.divsi %add3A_861, %jit3A_909 : i32
      %sign3A_911 = arith.constant 0 : i32
      %sign3A_912 = arith.cmpi sgt, %add3A_861, %sign3A_911 : i32
      %sign3A_913 = arith.extui %sign3A_912 : i1 to i32
      %sign3A_914 = arith.constant 0 : i32
      %sign3A_915 = arith.cmpi slt, %add3A_861, %sign3A_914 : i32
      %sign3A_916 = arith.extui %sign3A_915 : i1 to i32
      %sign3A_917 = arith.subi %sign3A_913, %sign3A_916 : i32
      %sign3A_918 = arith.constant 0 : i32
      %sign3A_919 = arith.cmpi sgt, %jit3A_909, %sign3A_918 : i32
      %sign3A_920 = arith.extui %sign3A_919 : i1 to i32
      %sign3A_921 = arith.constant 0 : i32
      %sign3A_922 = arith.cmpi slt, %jit3A_909, %sign3A_921 : i32
      %sign3A_923 = arith.extui %sign3A_922 : i1 to i32
      %sign3A_924 = arith.subi %sign3A_920, %sign3A_923 : i32
      %ne3A_925 = arith.cmpi ne, %sign3A_917, %sign3A_924 : i32
      %rem3A_926 = arith.remsi %add3A_861, %jit3A_909 : i32
      %ne3A_927 = arith.constant 0 : i32
      %ne3A_928 = arith.cmpi ne, %rem3A_926, %ne3A_927 : i32
      %and3A_929 = arith.andi %ne3A_925, %ne3A_928 : i1
      %sub3A_930 = arith.constant 1 : i32
      %sub3A_931 = arith.subi %div3A_910, %sub3A_930 : i32
      %select_n3A_932 = arith.select %and3A_929, %sub3A_931, %div3A_910 : i32
      %jit3A_933 = arith.constant 2 : i32
      %eq3A_934 = arith.constant 0 : i32
      %eq3A_935 = arith.cmpi eq, %jit3A_933, %eq3A_934 : i32
      %jit3A_936 = arith.constant 1 : i32
      %select_n3A_937 = arith.select %eq3A_935, %jit3A_936, %jit3A_933 : i32
      %rem3A_938 = arith.remsi %add3A_861, %select_n3A_937 : i32
      %ne3A_939 = arith.constant 0 : i32
      %ne3A_940 = arith.cmpi ne, %rem3A_938, %ne3A_939 : i32
      %lt3A_941 = arith.constant 0 : i32
      %lt3A_942 = arith.cmpi slt, %rem3A_938, %lt3A_941 : i32
      %lt3A_943 = arith.constant 0 : i32
      %lt3A_944 = arith.cmpi slt, %select_n3A_937, %lt3A_943 : i32
      %ne3A_945 = arith.xori %lt3A_942, %lt3A_944 : i1
      %and3A_946 = arith.andi %ne3A_945, %ne3A_940 : i1
      %add3A_947 = arith.addi %rem3A_938, %select_n3A_937 : i32
      %select_n3A_948 = arith.select %and3A_946, %add3A_947, %rem3A_938 : i32
      %mul3A_949 = arith.constant 64 : i32
      %mul3A_950 = arith.muli %select_n3A_948, %mul3A_949 : i32
      %add3A_951 = arith.addi %mul3A_2, %mul3A_950 : i32
      "tpu.region"() ({
        %run_scoped3A = tpu.sem_alloc : memref<!tpu.dma_semaphore, #tpu.memory_space<semaphore_mem>>
        %dma_start3A_1058 = arith.constant 0 : i32
        %dma_start3A_1059 = tpu.memref_slice %arg4[%select_n3A_932, %add3A_951, %dma_start3A_1058] : memref<50x4096x128xf32, #tpu.memory_space<hbm>> -> memref<1x64x128xf32, #tpu.memory_space<hbm>>
        %dma_start3A_1060 = tpu.memref_squeeze %dma_start3A_1059 : memref<1x64x128xf32, #tpu.memory_space<hbm>> -> memref<64x128xf32, #tpu.memory_space<hbm>>
        %dma_start3A_1061 = arith.constant 0 : i32
        %dma_start3A_1062 = tpu.memref_slice %arg4[%select_n3A_932, %add3A_951, %dma_start3A_1061] : memref<50x4096x128xf32, #tpu.memory_space<hbm>> -> memref<1x64x128xf32, #tpu.memory_space<hbm>>
        %dma_start3A_1063 = tpu.memref_squeeze %dma_start3A_1062 : memref<1x64x128xf32, #tpu.memory_space<hbm>> -> memref<64x128xf32, #tpu.memory_space<hbm>>
        tpu.enqueue_dma source(%arg14 : memref<64x128xf32, #tpu.memory_space<vmem>>) target(%dma_start3A_1063 : memref<64x128xf32, #tpu.memory_space<hbm>>) target_semaphore(%run_scoped3A : memref<!tpu.dma_semaphore, #tpu.memory_space<semaphore_mem>>)
        %dma_wait3A_1064 = arith.constant 0 : i32
        %dma_wait3A_1065 = tpu.memref_slice %arg4[%select_n3A_932, %add3A_951, %dma_wait3A_1064] : memref<50x4096x128xf32, #tpu.memory_space<hbm>> -> memref<1x64x128xf32, #tpu.memory_space<hbm>>
        %dma_wait3A_1066 = tpu.memref_squeeze %dma_wait3A_1065 : memref<1x64x128xf32, #tpu.memory_space<hbm>> -> memref<64x128xf32, #tpu.memory_space<hbm>>
        %dma_wait3A_1067 = arith.constant 0 : i32
        %dma_wait3A_1068 = tpu.memref_slice %arg4[%select_n3A_932, %add3A_951, %dma_wait3A_1067] : memref<50x4096x128xf32, #tpu.memory_space<hbm>> -> memref<1x64x128xf32, #tpu.memory_space<hbm>>
        %dma_wait3A_1069 = tpu.memref_squeeze %dma_wait3A_1068 : memref<1x64x128xf32, #tpu.memory_space<hbm>> -> memref<64x128xf32, #tpu.memory_space<hbm>>
        tpu.wait_dma2 semaphore(%run_scoped3A : memref<!tpu.dma_semaphore, #tpu.memory_space<semaphore_mem>>) src(%arg14 : memref<64x128xf32, #tpu.memory_space<vmem>>) dst(%dma_wait3A_1069 : memref<64x128xf32, #tpu.memory_space<hbm>>)
        tpu.yield
      }) : () -> ()
      %add3A_952 = arith.constant 10 : i32
      %add3A_953 = arith.addi %add3A_861, %add3A_952 : i32
      %lt3A_954 = arith.constant 100 : i32
      %lt3A_955 = arith.cmpi slt, %add3A_953, %lt3A_954 : i32
      %convert_element_type3A_956 = arith.extui %lt3A_955 : i1 to i32
      %cond3A_957 = arith.constant 0 : i32
      %cond3A_958 = arith.cmpi ne, %convert_element_type3A_956, %cond3A_957 : i32
      scf.if %cond3A_958 {
        %add3A_1058 = arith.constant 10 : i32
        %add3A_1059 = arith.addi %add3A_861, %add3A_1058 : i32
        %jit3A_1060 = arith.constant 2 : i32
        %div3A_1061 = arith.divsi %add3A_1059, %jit3A_1060 : i32
        %sign3A_1062 = arith.constant 0 : i32
        %sign3A_1063 = arith.cmpi sgt, %add3A_1059, %sign3A_1062 : i32
        %sign3A_1064 = arith.extui %sign3A_1063 : i1 to i32
        %sign3A_1065 = arith.constant 0 : i32
        %sign3A_1066 = arith.cmpi slt, %add3A_1059, %sign3A_1065 : i32
        %sign3A_1067 = arith.extui %sign3A_1066 : i1 to i32
        %sign3A_1068 = arith.subi %sign3A_1064, %sign3A_1067 : i32
        %sign3A_1069 = arith.constant 0 : i32
        %sign3A_1070 = arith.cmpi sgt, %jit3A_1060, %sign3A_1069 : i32
        %sign3A_1071 = arith.extui %sign3A_1070 : i1 to i32
        %sign3A_1072 = arith.constant 0 : i32
        %sign3A_1073 = arith.cmpi slt, %jit3A_1060, %sign3A_1072 : i32
        %sign3A_1074 = arith.extui %sign3A_1073 : i1 to i32
        %sign3A_1075 = arith.subi %sign3A_1071, %sign3A_1074 : i32
        %ne3A_1076 = arith.cmpi ne, %sign3A_1068, %sign3A_1075 : i32
        %rem3A_1077 = arith.remsi %add3A_1059, %jit3A_1060 : i32
        %ne3A_1078 = arith.constant 0 : i32
        %ne3A_1079 = arith.cmpi ne, %rem3A_1077, %ne3A_1078 : i32
        %and3A_1080 = arith.andi %ne3A_1076, %ne3A_1079 : i1
        %sub3A_1081 = arith.constant 1 : i32
        %sub3A_1082 = arith.subi %div3A_1061, %sub3A_1081 : i32
        %select_n3A_1083 = arith.select %and3A_1080, %sub3A_1082, %div3A_1061 : i32
        %jit3A_1084 = arith.constant 2 : i32
        %eq3A_1085 = arith.constant 0 : i32
        %eq3A_1086 = arith.cmpi eq, %jit3A_1084, %eq3A_1085 : i32
        %jit3A_1087 = arith.constant 1 : i32
        %select_n3A_1088 = arith.select %eq3A_1086, %jit3A_1087, %jit3A_1084 : i32
        %rem3A_1089 = arith.remsi %add3A_1059, %select_n3A_1088 : i32
        %ne3A_1090 = arith.constant 0 : i32
        %ne3A_1091 = arith.cmpi ne, %rem3A_1089, %ne3A_1090 : i32
        %lt3A_1092 = arith.constant 0 : i32
        %lt3A_1093 = arith.cmpi slt, %rem3A_1089, %lt3A_1092 : i32
        %lt3A_1094 = arith.constant 0 : i32
        %lt3A_1095 = arith.cmpi slt, %select_n3A_1088, %lt3A_1094 : i32
        %ne3A_1096 = arith.xori %lt3A_1093, %lt3A_1095 : i1
        %and3A_1097 = arith.andi %ne3A_1096, %ne3A_1091 : i1
        %add3A_1098 = arith.addi %rem3A_1089, %select_n3A_1088 : i32
        %select_n3A_1099 = arith.select %and3A_1097, %add3A_1098, %rem3A_1089 : i32
        %mul3A_1100 = arith.constant 64 : i32
        %mul3A_1101 = arith.muli %select_n3A_1099, %mul3A_1100 : i32
        %dma_start3A_1102 = tpu.memref_slice %arg5[%select_n3A_1083, %mul3A_1101] : memref<50x128xi32, #tpu.memory_space<vmem>> -> memref<1x64xi32, #tpu.memory_space<vmem>>
        %dma_start3A_1103 = tpu.memref_squeeze %dma_start3A_1102 : memref<1x64xi32, #tpu.memory_space<vmem>> -> memref<64xi32, #tpu.memory_space<vmem>>
        %dma_start3A_1104 = arith.constant 0 : i32
        %dma_start3A_1105 = arith.constant 0 : i32
        %dma_start3A_1106 = tpu.memref_slice %arg3[%dma_start3A_1104, %dma_start3A_1105] : memref<100000x128xf32, #tpu.memory_space<hbm>> -> memref<100000x128xf32, #tpu.memory_space<hbm>>
        tpu.enqueue_indirect_dma source(%dma_start3A_1106 : memref<100000x128xf32, #tpu.memory_space<hbm>>) target(%arg14 : memref<64x128xf32, #tpu.memory_space<vmem>>) offsets(%dma_start3A_1103 : memref<64xi32, #tpu.memory_space<vmem>>) semaphore(%arg24 : memref<!tpu.dma_semaphore, #tpu.memory_space<semaphore_mem>>)
      } else {
      }
      %add3A_959 = arith.constant 9 : i32
      %add3A_960 = arith.addi %add3A_80, %add3A_959 : i32
      %jit3A_961 = arith.constant 2 : i32
      %div3A_962 = arith.divsi %add3A_960, %jit3A_961 : i32
      %sign3A_963 = arith.constant 0 : i32
      %sign3A_964 = arith.cmpi sgt, %add3A_960, %sign3A_963 : i32
      %sign3A_965 = arith.extui %sign3A_964 : i1 to i32
      %sign3A_966 = arith.constant 0 : i32
      %sign3A_967 = arith.cmpi slt, %add3A_960, %sign3A_966 : i32
      %sign3A_968 = arith.extui %sign3A_967 : i1 to i32
      %sign3A_969 = arith.subi %sign3A_965, %sign3A_968 : i32
      %sign3A_970 = arith.constant 0 : i32
      %sign3A_971 = arith.cmpi sgt, %jit3A_961, %sign3A_970 : i32
      %sign3A_972 = arith.extui %sign3A_971 : i1 to i32
      %sign3A_973 = arith.constant 0 : i32
      %sign3A_974 = arith.cmpi slt, %jit3A_961, %sign3A_973 : i32
      %sign3A_975 = arith.extui %sign3A_974 : i1 to i32
      %sign3A_976 = arith.subi %sign3A_972, %sign3A_975 : i32
      %ne3A_977 = arith.cmpi ne, %sign3A_969, %sign3A_976 : i32
      %rem3A_978 = arith.remsi %add3A_960, %jit3A_961 : i32
      %ne3A_979 = arith.constant 0 : i32
      %ne3A_980 = arith.cmpi ne, %rem3A_978, %ne3A_979 : i32
      %and3A_981 = arith.andi %ne3A_977, %ne3A_980 : i1
      %sub3A_982 = arith.constant 1 : i32
      %sub3A_983 = arith.subi %div3A_962, %sub3A_982 : i32
      %select_n3A_984 = arith.select %and3A_981, %sub3A_983, %div3A_962 : i32
      %jit3A_985 = arith.constant 2 : i32
      %eq3A_986 = arith.constant 0 : i32
      %eq3A_987 = arith.cmpi eq, %jit3A_985, %eq3A_986 : i32
      %jit3A_988 = arith.constant 1 : i32
      %select_n3A_989 = arith.select %eq3A_987, %jit3A_988, %jit3A_985 : i32
      %rem3A_990 = arith.remsi %add3A_960, %select_n3A_989 : i32
      %ne3A_991 = arith.constant 0 : i32
      %ne3A_992 = arith.cmpi ne, %rem3A_990, %ne3A_991 : i32
      %lt3A_993 = arith.constant 0 : i32
      %lt3A_994 = arith.cmpi slt, %rem3A_990, %lt3A_993 : i32
      %lt3A_995 = arith.constant 0 : i32
      %lt3A_996 = arith.cmpi slt, %select_n3A_989, %lt3A_995 : i32
      %ne3A_997 = arith.xori %lt3A_994, %lt3A_996 : i1
      %and3A_998 = arith.andi %ne3A_997, %ne3A_992 : i1
      %add3A_999 = arith.addi %rem3A_990, %select_n3A_989 : i32
      %select_n3A_1000 = arith.select %and3A_998, %add3A_999, %rem3A_990 : i32
      %mul3A_1001 = arith.constant 64 : i32
      %mul3A_1002 = arith.muli %select_n3A_1000, %mul3A_1001 : i32
      %dma_wait3A_1003 = tpu.memref_slice %arg5[%select_n3A_984, %mul3A_1002] : memref<50x128xi32, #tpu.memory_space<vmem>> -> memref<1x64xi32, #tpu.memory_space<vmem>>
      %dma_wait3A_1004 = tpu.memref_squeeze %dma_wait3A_1003 : memref<1x64xi32, #tpu.memory_space<vmem>> -> memref<64xi32, #tpu.memory_space<vmem>>
      %dma_wait3A_1005 = arith.constant 0 : i32
      %dma_wait3A_1006 = arith.constant 0 : i32
      %dma_wait3A_1007 = tpu.memref_slice %arg3[%dma_wait3A_1005, %dma_wait3A_1006] : memref<100000x128xf32, #tpu.memory_space<hbm>> -> memref<100000x128xf32, #tpu.memory_space<hbm>>
      tpu.wait_indirect_dma semaphore(%arg25 : memref<!tpu.dma_semaphore, #tpu.memory_space<semaphore_mem>>) src(%dma_wait3A_1007 : memref<100000x128xf32, #tpu.memory_space<hbm>>) dst(%arg15 : memref<64x128xf32, #tpu.memory_space<vmem>>)
      %jit3A_1008 = arith.constant 2 : i32
      %div3A_1009 = arith.divsi %add3A_960, %jit3A_1008 : i32
      %sign3A_1010 = arith.constant 0 : i32
      %sign3A_1011 = arith.cmpi sgt, %add3A_960, %sign3A_1010 : i32
      %sign3A_1012 = arith.extui %sign3A_1011 : i1 to i32
      %sign3A_1013 = arith.constant 0 : i32
      %sign3A_1014 = arith.cmpi slt, %add3A_960, %sign3A_1013 : i32
      %sign3A_1015 = arith.extui %sign3A_1014 : i1 to i32
      %sign3A_1016 = arith.subi %sign3A_1012, %sign3A_1015 : i32
      %sign3A_1017 = arith.constant 0 : i32
      %sign3A_1018 = arith.cmpi sgt, %jit3A_1008, %sign3A_1017 : i32
      %sign3A_1019 = arith.extui %sign3A_1018 : i1 to i32
      %sign3A_1020 = arith.constant 0 : i32
      %sign3A_1021 = arith.cmpi slt, %jit3A_1008, %sign3A_1020 : i32
      %sign3A_1022 = arith.extui %sign3A_1021 : i1 to i32
      %sign3A_1023 = arith.subi %sign3A_1019, %sign3A_1022 : i32
      %ne3A_1024 = arith.cmpi ne, %sign3A_1016, %sign3A_1023 : i32
      %rem3A_1025 = arith.remsi %add3A_960, %jit3A_1008 : i32
      %ne3A_1026 = arith.constant 0 : i32
      %ne3A_1027 = arith.cmpi ne, %rem3A_1025, %ne3A_1026 : i32
      %and3A_1028 = arith.andi %ne3A_1024, %ne3A_1027 : i1
      %sub3A_1029 = arith.constant 1 : i32
      %sub3A_1030 = arith.subi %div3A_1009, %sub3A_1029 : i32
      %select_n3A_1031 = arith.select %and3A_1028, %sub3A_1030, %div3A_1009 : i32
      %jit3A_1032 = arith.constant 2 : i32
      %eq3A_1033 = arith.constant 0 : i32
      %eq3A_1034 = arith.cmpi eq, %jit3A_1032, %eq3A_1033 : i32
      %jit3A_1035 = arith.constant 1 : i32
      %select_n3A_1036 = arith.select %eq3A_1034, %jit3A_1035, %jit3A_1032 : i32
      %rem3A_1037 = arith.remsi %add3A_960, %select_n3A_1036 : i32
      %ne3A_1038 = arith.constant 0 : i32
      %ne3A_1039 = arith.cmpi ne, %rem3A_1037, %ne3A_1038 : i32
      %lt3A_1040 = arith.constant 0 : i32
      %lt3A_1041 = arith.cmpi slt, %rem3A_1037, %lt3A_1040 : i32
      %lt3A_1042 = arith.constant 0 : i32
      %lt3A_1043 = arith.cmpi slt, %select_n3A_1036, %lt3A_1042 : i32
      %ne3A_1044 = arith.xori %lt3A_1041, %lt3A_1043 : i1
      %and3A_1045 = arith.andi %ne3A_1044, %ne3A_1039 : i1
      %add3A_1046 = arith.addi %rem3A_1037, %select_n3A_1036 : i32
      %select_n3A_1047 = arith.select %and3A_1045, %add3A_1046, %rem3A_1037 : i32
      %mul3A_1048 = arith.constant 64 : i32
      %mul3A_1049 = arith.muli %select_n3A_1047, %mul3A_1048 : i32
      %add3A_1050 = arith.addi %mul3A_2, %mul3A_1049 : i32
      "tpu.region"() ({
        %run_scoped3A = tpu.sem_alloc : memref<!tpu.dma_semaphore, #tpu.memory_space<semaphore_mem>>
        %dma_start3A_1058 = arith.constant 0 : i32
        %dma_start3A_1059 = tpu.memref_slice %arg4[%select_n3A_1031, %add3A_1050, %dma_start3A_1058] : memref<50x4096x128xf32, #tpu.memory_space<hbm>> -> memref<1x64x128xf32, #tpu.memory_space<hbm>>
        %dma_start3A_1060 = tpu.memref_squeeze %dma_start3A_1059 : memref<1x64x128xf32, #tpu.memory_space<hbm>> -> memref<64x128xf32, #tpu.memory_space<hbm>>
        %dma_start3A_1061 = arith.constant 0 : i32
        %dma_start3A_1062 = tpu.memref_slice %arg4[%select_n3A_1031, %add3A_1050, %dma_start3A_1061] : memref<50x4096x128xf32, #tpu.memory_space<hbm>> -> memref<1x64x128xf32, #tpu.memory_space<hbm>>
        %dma_start3A_1063 = tpu.memref_squeeze %dma_start3A_1062 : memref<1x64x128xf32, #tpu.memory_space<hbm>> -> memref<64x128xf32, #tpu.memory_space<hbm>>
        tpu.enqueue_dma source(%arg15 : memref<64x128xf32, #tpu.memory_space<vmem>>) target(%dma_start3A_1063 : memref<64x128xf32, #tpu.memory_space<hbm>>) target_semaphore(%run_scoped3A : memref<!tpu.dma_semaphore, #tpu.memory_space<semaphore_mem>>)
        %dma_wait3A_1064 = arith.constant 0 : i32
        %dma_wait3A_1065 = tpu.memref_slice %arg4[%select_n3A_1031, %add3A_1050, %dma_wait3A_1064] : memref<50x4096x128xf32, #tpu.memory_space<hbm>> -> memref<1x64x128xf32, #tpu.memory_space<hbm>>
        %dma_wait3A_1066 = tpu.memref_squeeze %dma_wait3A_1065 : memref<1x64x128xf32, #tpu.memory_space<hbm>> -> memref<64x128xf32, #tpu.memory_space<hbm>>
        %dma_wait3A_1067 = arith.constant 0 : i32
        %dma_wait3A_1068 = tpu.memref_slice %arg4[%select_n3A_1031, %add3A_1050, %dma_wait3A_1067] : memref<50x4096x128xf32, #tpu.memory_space<hbm>> -> memref<1x64x128xf32, #tpu.memory_space<hbm>>
        %dma_wait3A_1069 = tpu.memref_squeeze %dma_wait3A_1068 : memref<1x64x128xf32, #tpu.memory_space<hbm>> -> memref<64x128xf32, #tpu.memory_space<hbm>>
        tpu.wait_dma2 semaphore(%run_scoped3A : memref<!tpu.dma_semaphore, #tpu.memory_space<semaphore_mem>>) src(%arg15 : memref<64x128xf32, #tpu.memory_space<vmem>>) dst(%dma_wait3A_1069 : memref<64x128xf32, #tpu.memory_space<hbm>>)
        tpu.yield
      }) : () -> ()
      %add3A_1051 = arith.constant 10 : i32
      %add3A_1052 = arith.addi %add3A_960, %add3A_1051 : i32
      %lt3A_1053 = arith.constant 100 : i32
      %lt3A_1054 = arith.cmpi slt, %add3A_1052, %lt3A_1053 : i32
      %convert_element_type3A_1055 = arith.extui %lt3A_1054 : i1 to i32
      %cond3A_1056 = arith.constant 0 : i32
      %cond3A_1057 = arith.cmpi ne, %convert_element_type3A_1055, %cond3A_1056 : i32
      scf.if %cond3A_1057 {
        %add3A_1058 = arith.constant 10 : i32
        %add3A_1059 = arith.addi %add3A_960, %add3A_1058 : i32
        %jit3A_1060 = arith.constant 2 : i32
        %div3A_1061 = arith.divsi %add3A_1059, %jit3A_1060 : i32
        %sign3A_1062 = arith.constant 0 : i32
        %sign3A_1063 = arith.cmpi sgt, %add3A_1059, %sign3A_1062 : i32
        %sign3A_1064 = arith.extui %sign3A_1063 : i1 to i32
        %sign3A_1065 = arith.constant 0 : i32
        %sign3A_1066 = arith.cmpi slt, %add3A_1059, %sign3A_1065 : i32
        %sign3A_1067 = arith.extui %sign3A_1066 : i1 to i32
        %sign3A_1068 = arith.subi %sign3A_1064, %sign3A_1067 : i32
        %sign3A_1069 = arith.constant 0 : i32
        %sign3A_1070 = arith.cmpi sgt, %jit3A_1060, %sign3A_1069 : i32
        %sign3A_1071 = arith.extui %sign3A_1070 : i1 to i32
        %sign3A_1072 = arith.constant 0 : i32
        %sign3A_1073 = arith.cmpi slt, %jit3A_1060, %sign3A_1072 : i32
        %sign3A_1074 = arith.extui %sign3A_1073 : i1 to i32
        %sign3A_1075 = arith.subi %sign3A_1071, %sign3A_1074 : i32
        %ne3A_1076 = arith.cmpi ne, %sign3A_1068, %sign3A_1075 : i32
        %rem3A_1077 = arith.remsi %add3A_1059, %jit3A_1060 : i32
        %ne3A_1078 = arith.constant 0 : i32
        %ne3A_1079 = arith.cmpi ne, %rem3A_1077, %ne3A_1078 : i32
        %and3A_1080 = arith.andi %ne3A_1076, %ne3A_1079 : i1
        %sub3A_1081 = arith.constant 1 : i32
        %sub3A_1082 = arith.subi %div3A_1061, %sub3A_1081 : i32
        %select_n3A_1083 = arith.select %and3A_1080, %sub3A_1082, %div3A_1061 : i32
        %jit3A_1084 = arith.constant 2 : i32
        %eq3A_1085 = arith.constant 0 : i32
        %eq3A_1086 = arith.cmpi eq, %jit3A_1084, %eq3A_1085 : i32
        %jit3A_1087 = arith.constant 1 : i32
        %select_n3A_1088 = arith.select %eq3A_1086, %jit3A_1087, %jit3A_1084 : i32
        %rem3A_1089 = arith.remsi %add3A_1059, %select_n3A_1088 : i32
        %ne3A_1090 = arith.constant 0 : i32
        %ne3A_1091 = arith.cmpi ne, %rem3A_1089, %ne3A_1090 : i32
        %lt3A_1092 = arith.constant 0 : i32
        %lt3A_1093 = arith.cmpi slt, %rem3A_1089, %lt3A_1092 : i32
        %lt3A_1094 = arith.constant 0 : i32
        %lt3A_1095 = arith.cmpi slt, %select_n3A_1088, %lt3A_1094 : i32
        %ne3A_1096 = arith.xori %lt3A_1093, %lt3A_1095 : i1
        %and3A_1097 = arith.andi %ne3A_1096, %ne3A_1091 : i1
        %add3A_1098 = arith.addi %rem3A_1089, %select_n3A_1088 : i32
        %select_n3A_1099 = arith.select %and3A_1097, %add3A_1098, %rem3A_1089 : i32
        %mul3A_1100 = arith.constant 64 : i32
        %mul3A_1101 = arith.muli %select_n3A_1099, %mul3A_1100 : i32
        %dma_start3A_1102 = tpu.memref_slice %arg5[%select_n3A_1083, %mul3A_1101] : memref<50x128xi32, #tpu.memory_space<vmem>> -> memref<1x64xi32, #tpu.memory_space<vmem>>
        %dma_start3A_1103 = tpu.memref_squeeze %dma_start3A_1102 : memref<1x64xi32, #tpu.memory_space<vmem>> -> memref<64xi32, #tpu.memory_space<vmem>>
        %dma_start3A_1104 = arith.constant 0 : i32
        %dma_start3A_1105 = arith.constant 0 : i32
        %dma_start3A_1106 = tpu.memref_slice %arg3[%dma_start3A_1104, %dma_start3A_1105] : memref<100000x128xf32, #tpu.memory_space<hbm>> -> memref<100000x128xf32, #tpu.memory_space<hbm>>
        tpu.enqueue_indirect_dma source(%dma_start3A_1106 : memref<100000x128xf32, #tpu.memory_space<hbm>>) target(%arg15 : memref<64x128xf32, #tpu.memory_space<vmem>>) offsets(%dma_start3A_1103 : memref<64xi32, #tpu.memory_space<vmem>>) semaphore(%arg25 : memref<!tpu.dma_semaphore, #tpu.memory_space<semaphore_mem>>)
      } else {
      }
    }
    %scan3A_75 = arith.constant 10 : i32
    return
  }
}

</mosaic_0001>

<sc_bundles>
// kernel: _lookup.3.cloned.1.call-start
scs
__scs_entry_jumppad:
0x0: {  	(pc) =	sbr.rel $0x88, $3  }
0x1: {  	(tag) =	ssettag $0x0;
	lr =	simm.s32 $0x1  }
0x2: {  	[smem:$0x3F9F] =	sst lr;
	_ =	strace $0xD0000000  }
0x3: {  	_ = 	snop  }
0x4: {  	_ = 	snop  }
0x5: {  	_ = 	snop  }
0x6: {  	_ = 	snop  }
0x7: {  	_ = 	snop  }
__scs_overlays_trampoline_lowered:
0x8: {  	[smem:$0x3FAE] =	sst s0  }
0x9: {  	[smem:$0x3FAF] =	sst s1  }
0xa: {  	[smem:$0x3FB0] =	sst s2  }
0xb: {  	[smem:$0x3FB1] =	sst s3  }
0xc: {  	[smem:$0x3FB2] =	sst s4  }
0xd: {  	[smem:$0x3FB3] =	sst s5  }
0xe: {  	[smem:$0x3FB4] =	sst s6  }
0xf: {  	[smem:$0x3FB5] =	sst s7  }
0x10: {  	[smem:$0x3FB6] =	sst s8  }
0x11: {  	[smem:$0x3FB7] =	sst s9;
	s0 =	simm.s32 @!p0 $0x0  }
0x12: {  	s1 =	sld [smem:$0x3F9D];
	s0 =	simm.s32 @p0 $0x1  }
0x13: {  	[smem:$0x3FB8] =	sst s0;
	s0 =	simm.s32 @!p1 $0x0  }
0x14: {  	s2 =	sld [smem:$0x3F9C];
	s0 =	simm.s32 @p1 $0x1  }
0x15: {  	[smem:$0x3FB9] =	sst s0;
	s0 =	simm.s32 @!p2 $0x0  }
0x16: {  	s3 =	sld [smem:$0x3FDB];
	s0 =	simm.s32 @p2 $0x1  }
0x17: {  	s4 =	simm.s32 $0x1BF5;
	[smem:$0x3FBB] =	sst s0  }
0x18: {  	s0 =	sld [smem:$0x3F9E];
	_ =	swait.ge [sflag:s4], $0x0  }
0x19: {  	s7 =	sld [smem:$0x3F9F]  }
0x1a: {  	s8 =	sadd.s32 $0xFFFFE003, lr  }
0x1b: {  	s9 =	sadd.s32 $0xFFFFFEF7, lr;
	s5 =	simm.s32 $0xFFFFFFFF;
	p2 =	slt.u32 s8, $0xFFFFF086  }
0x1c: {  	p1 =	slt.u32 s9, $0xF7A;
	s5 =	simm.s32 @!p2 $0x0  }
0x1d: {  	s5 =	simm.s32 @p1 $0x1;
	p0 =	seq.s32 s7, s2  }
0x1e: {  	s7 =	smul.u32 @!p0 $0xF7A, s2;
	p2 =	seq.s32 @!p0 s5, $0x0  }
0x1f: {  	s9 =	smul.u32 $0xF7A, s1;
	s8 =	simm.s32 @!p0 $0x1BF5;
	p2 =	por !p2, p0  }
0x20: {  	[sflag:s8] =	ssyncset.s32 @!p0 $0xFFFFF086;
	s6 =	sadd.s32 @!p0 s3, s7;
	s7 =	simm.s32 @!p0 $0x108  }
0x21: {  	s3 =	sadd.s32 s3, s9;
	s6 =	sadd.s32 @!p0 $0x88, s6;
	s7 =	simm.s32 @p2 $0x1082  }
0x22: {  	[simem:s7], [sflag:s8] =	dma.local @!p0 [hbm:s6], $0xF7A  }
0x23: {  	s9 =	sor.u32 $0xD0000000, s2;
	s6 =	simm.s32 $0x108;
	_ =	swait.ge @!p0 [sflag:s8], $0x0  }
0x24: {  	s3 =	sadd.s32 $0x88, s3;
	s6 =	simm.s32 @!p1 $0x1082;
	[sflag:s4] =	ssyncset.s32 $0xFFFFF086  }
0x25: {  	[simem:s6], [sflag:s4] =	dma.local [hbm:s3], $0xF7A  }
0x26: {  	[smem:$0x3F9F] =	sst s1;
	(tag) =	ssettag s2;
	_ =	strace s9  }
0x27: {  	s1 =	sld [smem:$0x3FAF]  }
0x28: {  	s2 =	sld [smem:$0x3FB0]  }
0x29: {  	s4 =	sld [smem:$0x3FB2]  }
0x2a: {  	p0 =	seq.s32 s5, $0x0;
	s5 =	sld [smem:$0x3FB3]  }
0x2b: {  	s6 =	sld [smem:$0x3FB4]  }
0x2c: {  	s7 =	sld [smem:$0x3FB5]  }
0x2d: {  	s3 =	simm.s32 $0x108;
	s8 =	sld [smem:$0x3FB6]  }
0x2e: {  	s3 =	simm.s32 @!p0 $0x1082;
	s9 =	sld [smem:$0x3FB7]  }
0x2f: {  	lr =	sadd.s32 s0, s3;
	s0 =	sld [smem:$0x3FAE]  }
0x30: {  	s3 =	sld [smem:$0x3FB1]  }
0x31: {  	[smem:$0x3FBA] =	sst s10  }
0x32: {  	s10 =	sld [smem:$0x3FB8];
	_ =	sdelay $0x3  }
0x33: {  	p0 =	seq.s32 s10, $0x1;
	s10 =	sld [smem:$0x3FBA];
	_ =	sdelay $0x3  }
0x34: {  	[smem:$0x3FBA] =	sst s10  }
0x35: {  	s10 =	sld [smem:$0x3FB9];
	_ =	sdelay $0x3  }
0x36: {  	p1 =	seq.s32 s10, $0x1;
	s10 =	sld [smem:$0x3FBA];
	_ =	sdelay $0x3  }
0x37: {  	[smem:$0x3FBA] =	sst s10  }
0x38: {  	s10 =	sld [smem:$0x3FBB]  }
0x39: {  	_ = 	snop;
	(pc) =	sbr.ind lr, $3  }
0x3a: {  	_ = 	snop  }
0x3b: {  	_ = 	snop  }
0x3c: {  	p2 =	seq.s32 s10, $0x1;
	s10 =	sld [smem:$0x3FBA]  }
0x3d: {  	_ =	shalt  }
0x3e: {  	_ =	shalt  }
0x3f: {  	_ =	shalt  }
0x40: {  	_ =	shalt  }
0x41: {  	_ =	shalt  }
0x42: {  	_ =	shalt  }
0x43: {  	_ =	shalt  }
0x44: {  	_ =	shalt  }
0x45: {  	_ =	shalt  }
0x46: {  	_ =	shalt  }
0x47: {  	_ =	shalt  }
0x48: {  	_ =	shalt  }
0x49: {  	_ =	shalt  }
0x4a: {  	_ =	shalt  }
0x4b: {  	_ =	shalt  }
0x4c: {  	_ =	shalt  }
0x4d: {  	_ =	shalt  }
0x4e: {  	_ =	shalt  }
0x4f: {  	_ =	shalt  }
0x50: {  	_ =	shalt  }
0x51: {  	_ =	shalt  }
0x52: {  	_ =	shalt  }
0x53: {  	_ =	shalt  }
0x54: {  	_ =	shalt  }
0x55: {  	_ =	shalt  }
0x56: {  	_ =	shalt  }
0x57: {  	_ =	shalt  }
0x58: {  	_ =	shalt  }
0x59: {  	_ =	shalt  }
0x5a: {  	_ =	shalt  }
0x5b: {  	_ =	shalt  }
0x5c: {  	_ =	shalt  }
0x5d: {  	_ =	shalt  }
0x5e: {  	_ =	shalt  }
0x5f: {  	_ =	shalt  }
0x60: {  	_ =	shalt  }
0x61: {  	_ =	shalt  }
0x62: {  	_ =	shalt  }
0x63: {  	_ =	shalt  }
0x64: {  	_ =	shalt  }
0x65: {  	_ =	shalt  }
0x66: {  	_ =	shalt  }
0x67: {  	_ =	shalt  }
0x68: {  	_ =	shalt  }
0x69: {  	_ =	shalt  }
0x6a: {  	_ =	shalt  }
0x6b: {  	_ =	shalt  }
0x6c: {  	_ =	shalt  }
0x6d: {  	_ =	shalt  }
0x6e: {  	_ =	shalt  }
0x6f: {  	_ =	shalt  }
0x70: {  	_ =	shalt  }
0x71: {  	_ =	shalt  }
0x72: {  	_ =	shalt  }
0x73: {  	_ =	shalt  }
0x74: {  	_ =	shalt  }
0x75: {  	_ =	shalt  }
0x76: {  	_ =	shalt  }
0x77: {  	_ =	shalt  }
0x78: {  	_ =	shalt  }
0x79: {  	_ =	shalt  }
0x7a: {  	_ =	shalt  }
0x7b: {  	_ =	shalt  }
0x7c: {  	_ =	shalt  }
0x7d: {  	_ =	shalt  }
0x7e: {  	_ =	shalt  }
0x7f: {  	_ =	shalt  }
0x80: {  	_ =	shalt  }
0x81: {  	_ =	shalt  }
0x82: {  	_ =	shalt  }
0x83: {  	_ =	shalt  }
0x84: {  	_ =	shalt  }
0x85: {  	_ =	shalt  }
0x86: {  	_ =	shalt  }
0x87: {  	_ =	shalt  }
.Lfunc_end0:
.L_simem_size_0:
called_computation_lowered:
.L_overlay_start_0:
0x88: {  	s2 =	sld [smem:$0x3FD9]  }
0x89: {  	s3 =	sld [smem:$0x3FFE];
	_ =	sdelay $0x1  }
0x8a: {  	s1 =	srdreg.scid  }
0x8b: {  	s0 =	sand.u32 $0x1, s1  }
0x8c: {  	s18 =	sshll.u32 s0, $0xA;
	s2 =	sadd.s32 s3, s2  }
0x8d: {  	s2 =	sadd.s32 s2, s18  }
0x8e: {  	[smem:$0x3FC6] =	sst s2  }
0x8f: {  	_ = 	snop  }
0x90: {  	s2 =	sld [smem:$0x3FC9]  }
0x91: {  	s19 =	sld [smem:$0x3FC8]  }
0x92: {  	s4 =	sld [smem:$0x3FD0];
	(tm) =	ssettm $0x1  }
0x93: {  	s5 =	sld [smem:$0x3FFB];
	_ =	sdelay $0x3  }
0x94: {  	_ =	strace s5  }
0x95: {  	s5 =	sld [smem:$0x3FFC];
	_ =	sdelay $0x3  }
0x96: {  	_ =	strace s5  }
0x97: {  	s5 =	sld [smem:$0x3FFD];
	_ =	sdelay $0x3  }
0x98: {  	_ =	strace s5  }
0x99: {  	_ =	strace $0x8FFFFFFF  }
0x9a: {  	s20 =	sld [smem:$0x3FDB];
	_ =	sdelay $0x1  }
0x9b: {  	s6 =	simm.s32 $_scs_section_size  }
0x9c: {  	s7 =	simm.s32 $_size__tile_overlayer_lowered;
	s8 =	simm.s32 $_tile_overlayer_lowered  }
0x9d: {  	s23 =	simm.s32 $0x1BFF;
	s22 =	sshll.u32 s8, $0x1;
	s5 =	sadd.s32 s6, s20  }
0x9e: {  	s9 =	simm.s32 $0x0;
	s21 =	sshll.u32 s7, $0x1;
	s7 =	sadd.s32 s22, s5  }
0x9f: {  	[timem:s9], [sflag:s23] =	dma.local [hbm:s7], s21  }
0xa0: {  	_ =	swait.ge [sflag:s23], s21  }
0xa1: {  	s6 =	ssub.s32 $0x0, s21;
	[sflag:s23] =	ssyncset.done $0x0  }
0xa2: {  	[sflag:s23] =	ssyncadd.s32 s6;
	_ =	sdelay $0x1  }
0xa3: {  	s24 =	simm.s32 $0x1B8B  }
0xa4: {  	_ =	swait.ge [sflag:s24], $0x1  }
0xa5: {  	[sflag:s24] =	ssyncset.done $0x0  }
0xa6: {  	s25 =	simm.s32 $0x1B8E;
	[sflag:s24] =	ssyncadd.s32 $0xFFFFFFFF  }
0xa7: {  	s26 =	simm.s32 $execute0_lowered;
	[smem:$0x3FD2] =	sst s25  }
0xa8: {  	s6 =	sshll.u32 s26, $0x1;
	_ =	strace $0x80000046;
	[dreg:$0x1] =	wrdreg $0xFFFFFFFF  }
0xa9: {  	s28 =	simm.s32 $_size_execute0_lowered;
	s5 =	sadd.s32 s5, s6;
	[dreg:$0x0] =	wrdreg $0x0  }
0xaa: {  	s6 =	sshll.u32 s28, $0x1;
	[dreg:$0x2] =	wrdreg s5  }
0xab: {  	[dreg:$0x3] =	wrdreg s6  }
0xac: {  	[dreg:$0x4] =	wrdreg $0xC0  }
0xad: {  	_ =	task [dreg:s9], $0x5FFFF  }
0xae: {  	[dreg:$0x1] =	wrdreg $0xFFFFFFFF  }
0xaf: {  	[dreg:$0x0] =	wrdreg $0x60  }
0xb0: {  	[dreg:$0x2] =	wrdreg s2  }
0xb1: {  	[dreg:$0x3] =	wrdreg s19  }
0xb2: {  	[dreg:$0x4] =	wrdreg s4  }
0xb3: {  	[dreg:$0x5] =	wrdreg $0x9  }
0xb4: {  	_ =	task.clear_ibuf [dreg:s9], $0x6FFFF;
	_ =	strace $0x90000046  }
0xb5: {  	s29 =	simm.s32 $0x9;
	_ =	strace $0x80000048  }
0xb6: {  	_ =	swait.ge [sflag:s29], $0x1  }
0xb7: {  	[sflag:s29] =	ssyncadd.s32 $0xFFFFFFFF  }
0xb8: {  	_ =	strace $0x90000048  }
0xb9: {  	_ =	sfence  }
0xba: {  	s30 =	sld [smem:$0x0];
	_ =	sdelay $0x2  }
0xbb: {  	s31 =	sshll.u32 s1, $0xD;
	s1 =	sshrl.u32 s1, $0x2  }
0xbc: {  	s3 =	sand.u32 $0x4000, s31;
	s1 =	sadd.s32 s1, s30  }
0xbd: {  	s0 =	sor.u32 s3, s0;
	s1 =	sshll.u32 s1, $0x11  }
0xbe: {  	s0 =	sor.u32 s1, s0  }
0xbf: {  	s0 =	sadd.s32 $0x8F2B, s0  }
0xc0: {  	[sflag:s0] =	ssyncadd.remote.s32 $0x1  }
0xc1: {  	_ =	sfence.sel $0xFFFF  }
0xc2: {  	[dreg:$0x0] =	wrdreg $0xFFFFFFFF;
	(pc) =	sbr.abs _section_cstart, $3  }
0xc3: {  	[dreg:$0x1] =	wrdreg $0xFFFFFFFF  }
0xc4: {  	_ =	task.clear_ibuf [dreg:s9], $0x2FFFF;
	_ =	strace $0x9FFFFFFF  }
0xc5: {  	(tm) =	ssettm $0x7FFFFFFF  }
tec
execute0_lowered:
.L_overlay_start_1:
0x0: {  	(tag) =	ssettag $0x1  }
0x1: {  	s0 =	rddreg [dreg:$0x0]  }
0x2: {  	s1 =	rddreg [dreg:$0x1];
	s4 =	simm.s32 $0x0  }
0x3: {  	s2 =	srdreg.scid;
	s8 =	stileid.u32;
	s30 =	simm.s32 $0x4  }
0x4: {  	s18 =	simm.s32 $0x0;
	[smem:$0x7FF] =	sst s4;
	s2 =	sand.u32 $0x1, s2  }
0x5: {  	s5 =	sshll.u32 s8, $0x8;
	s19 =	sshll.u32 s8, $0xF;
	s3 =	ssub.s32 $0x2, s2  }
0x6: {  	s6 =	sshll.u32 s2, $0x7;
	_ =	strace $0x80000047;
	s2 =	sshll.u32 s2, $0xE  }
0x7: {  	s7 =	sshrl.u32 s3, $0x1;
	s5 =	sor.u32 s6, s5;
	s6 =	simm.s32 $0x5  }
0x8: {  	s5 =	sadd.s32 s0, s5;
	s3 =	ssub.s32 s3, s7;
	s0 =	sor.u32 s2, s19  }
0x9: {  	s2 =	simm.s32 $0x1;
	s19 =	simm.s32 $0x2;
	s7 =	simm.s32 $0x6  }
0xa: {  	[dreg:$0x4] =	wrdreg s5;
	s5 =	sadd.s32 $0x6000, s5;
	s20 =	smax.u32 s3, $0x1  }
0xb: {  	s21 =	sor.u32 $0x202000, s0;
	s22 =	sor.u32 $0x200000, s0;
	s23 =	sor.u32 $0x182000, s0  }
0xc: {  	s24 =	sor.u32 $0x180000, s0;
	s25 =	sor.u32 $0x102000, s0;
	s26 =	sor.u32 $0x100000, s0  }
0xd: {  	s28 =	sor.u32 $0x82000, s0;
	s29 =	sor.u32 $0x80000, s0;
	s31 =	sor.u32 $0x2000, s0  }
0xe: {  	s17 =	sshrl.u32 s0, $0x3;
	s0 =	simm.s32 $0x13C00;
	[dreg:$0x5] =	wrdreg s5  }
0xf: {  	[dreg:$0x6] =	wrdreg s20;
	s8 =	sshrl.u32 s21, $0x3;
	s9 =	sshrl.u32 s22, $0x3  }
.Ltmp0:
0x10: {  	s10 =	sshrl.u32 s23, $0x3;
	s11 =	sshrl.u32 s24, $0x3;
	(pc) =	sbr.rel .LBB2_1-.Ltmp0, $4  }
0x11: {  	s12 =	sshrl.u32 s25, $0x3;
	s13 =	sshrl.u32 s26, $0x3;
	s14 =	sshrl.u32 s28, $0x3  }
0x12: {  	s15 =	sshrl.u32 s29, $0x3;
	s16 =	sshrl.u32 s31, $0x3;
	s21 =	simm.s32 $0xB  }
0x13: {  	s22 =	simm.s32 $0x40;
	s25 =	simm.s32 $0x3;
	s5 =	simm.s32 $0x7  }
0x14: {  	s23 =	simm.s32 $0x8;
	s24 =	simm.s32 $0x9;
	s26 =	simm.s32 $0xA  }
.LBB2_4:
0x15: {  	s18 =	rddreg [dreg:$0x7]  }
0x16: {  	s3 =	rddreg [dreg:$0x6];
	s18 =	sadd.s32 $0x1, s18  }
0x17: {  	p0 =	sne.s32 s18, s3  }
.Ltmp1:
0x18: {  	_ = 	snop;
	(pc) =	sbr.rel @!p0 .LBB2_5-.Ltmp1, $1  }
0x19: {  	_ =	sdelay $0x3  }
.LBB2_1:
0x1a: {  	[dreg:$0x7] =	wrdreg s18  }
0x1b: {  	s3 =	rddreg [dreg:$0x4];
	s28 =	simm.s32 $0x400;
	s20 =	simm.s32 $0x8000  }
0x1c: {  	[tilespmem:s4], [sflag:$0xB] =	stream.strided.gather [hbm4b:s3+s28], $0x1800, s20, s28, $0x38;
	[tilespmem:$0x15C00] =	vst v63  }
0x1d: {  	s18 =	rddreg [dreg:$0x5];
	s20 =	simm.s32 $0x1800  }
0x1e: {  	[tilespmem:s20], [sflag:$0xB] =	stream.linear.gather [hbm4b:s18+s4], $0x100, $0x38;
	[tilespmem:$0x15C00] =	vst v63  }
0x1f: {  	_ =	swait.ge [sflag:s21], $0x1900  }
0x20: {  	[sflag:s21] =	ssyncset.done $0x0  }
0x21: {  	s28 =	simm.s32 $0x1C00;
	[sflag:s21] =	ssyncadd.s32 $0xFFFFE700  }
0x22: {  	[tilespmem:s28], [sflag:$0x1] =	stream.indirect.gather [hbm4b:s1+s22], $0x80, s4, s22, $0xb8;
	[tilespmem:$0x15C00] =	vst v63  }
0x23: {  	s18 =	simm.s32 $0x3C00  }
0x24: {  	[tilespmem:s18], [sflag:$0x2] =	stream.indirect.gather [hbm4b:s1+s22], $0x80, s22, s22, $0xb8;
	[tilespmem:$0x15C00] =	vst v63  }
0x25: {  	s20 =	simm.s32 $0x80;
	s28 =	simm.s32 $0x5C00  }
0x26: {  	[tilespmem:s28], [sflag:$0x3] =	stream.indirect.gather [hbm4b:s1+s22], $0x80, s20, s22, $0xb8;
	[tilespmem:$0x15C00] =	vst v63  }
0x27: {  	s20 =	simm.s32 $0xC0;
	s28 =	simm.s32 $0x7C00  }
0x28: {  	[tilespmem:s28], [sflag:$0x4] =	stream.indirect.gather [hbm4b:s1+s22], $0x80, s20, s22, $0xb8;
	[tilespmem:$0x15C00] =	vst v63  }
0x29: {  	s20 =	simm.s32 $0x100;
	s28 =	simm.s32 $0x9C00  }
0x2a: {  	[tilespmem:s28], [sflag:$0x5] =	stream.indirect.gather [hbm4b:s1+s22], $0x80, s20, s22, $0xb8;
	[tilespmem:$0x15C00] =	vst v63  }
0x2b: {  	s20 =	simm.s32 $0x140;
	s28 =	simm.s32 $0xBC00  }
0x2c: {  	[tilespmem:s28], [sflag:$0x6] =	stream.indirect.gather [hbm4b:s1+s22], $0x80, s20, s22, $0xb8;
	[tilespmem:$0x15C00] =	vst v63  }
0x2d: {  	s20 =	simm.s32 $0x180;
	s28 =	simm.s32 $0xDC00  }
0x2e: {  	[tilespmem:s28], [sflag:$0x7] =	stream.indirect.gather [hbm4b:s1+s22], $0x80, s20, s22, $0xb8;
	[tilespmem:$0x15C00] =	vst v63  }
0x2f: {  	s20 =	simm.s32 $0x1C0;
	s28 =	simm.s32 $0xFC00  }
0x30: {  	[tilespmem:s28], [sflag:$0x8] =	stream.indirect.gather [hbm4b:s1+s22], $0x80, s20, s22, $0xb8;
	[tilespmem:$0x15C00] =	vst v63  }
0x31: {  	s18 =	simm.s32 $0x200;
	s20 =	simm.s32 $0x11C00  }
0x32: {  	[tilespmem:s20], [sflag:$0x9] =	stream.indirect.gather [hbm4b:s1+s22], $0x80, s18, s22, $0xb8;
	[tilespmem:$0x15C00] =	vst v63  }
0x33: {  	s31 =	simm.s32 $0x0;
	s29 =	rddreg [dreg:$0x2];
	s28 =	simm.s32 $0x240  }
0x34: {  	[tilespmem:s0], [sflag:$0xA] =	stream.indirect.gather [hbm4b:s1+s22], $0x80, s28, s22, $0xb8;
	[tilespmem:$0x15C00] =	vst v63  }
.LBB2_2:
0x35: {  	_ =	swait.ge [sflag:s2], $0x2000  }
0x36: {  	[sflag:s2] =	ssyncset.done $0x0  }
0x37: {  	s3 =	sadd.s32 s29, s17;
	s18 =	simm.s32 $0x1C00;
	[sflag:s2] =	ssyncadd.s32 $0xFFFFE000  }
0x38: {  	[hbm4b:s3+s4] =	stream.linear.scatter [tilespmem:s18], [sflag:$0xB], $0x2000, $0x38;
	[tilespmem:$0x15C00] =	vst v63  }
0x39: {  	p0 =	seq.s32 s31, $0x5A00;
	_ =	swait.ge [sflag:s21], $0x2000  }
0x3a: {  	s28 =	simm.s32 @!p0 $0x1C00;
	s3 =	sshra.s32 @!p0 s31, $0x2;
	[sflag:s21] =	ssyncset.done $0x0  }
0x3b: {  	s18 =	simm.s32 @!p0 $0x40;
	s20 =	sadd.s32 @!p0 $0x280, s3;
	[sflag:s21] =	ssyncadd.s32 $0xFFFFE000  }
0x3c: {  	[tilespmem:s28], [sflag:$0x1] =	stream.indirect.gather @!p0 [hbm4b:s1+s18], $0x80, s20, s18, $0xb8;
	[tilespmem:$0x15C00] =	vst v63  }
0x3d: {  	_ =	swait.ge [sflag:s19], $0x2000  }
0x3e: {  	[sflag:s19] =	ssyncset.done $0x0  }
0x3f: {  	s20 =	sadd.s32 s29, s16;
	s28 =	simm.s32 $0x3C00;
	[sflag:s19] =	ssyncadd.s32 $0xFFFFE000  }
0x40: {  	[hbm4b:s20+s4] =	stream.linear.scatter [tilespmem:s28], [sflag:$0xB], $0x2000, $0x38;
	[tilespmem:$0x15C00] =	vst v63  }
0x41: {  	_ =	swait.ge [sflag:s21], $0x2000  }
0x42: {  	[sflag:s21] =	ssyncset.done $0x0  }
0x43: {  	s20 =	sadd.s32 @!p0 $0x2C0, s3;
	s28 =	simm.s32 @!p0 $0x3C00;
	[sflag:s21] =	ssyncadd.s32 $0xFFFFE000  }
0x44: {  	[tilespmem:s28], [sflag:$0x2] =	stream.indirect.gather @!p0 [hbm4b:s1+s18], $0x80, s20, s18, $0xb8;
	[tilespmem:$0x15C00] =	vst v63  }
0x45: {  	_ =	swait.ge [sflag:s25], $0x2000  }
0x46: {  	[sflag:s25] =	ssyncset.done $0x0  }
0x47: {  	s20 =	sadd.s32 s29, s15;
	s28 =	simm.s32 $0x5C00;
	[sflag:s25] =	ssyncadd.s32 $0xFFFFE000  }
0x48: {  	[hbm4b:s20+s4] =	stream.linear.scatter [tilespmem:s28], [sflag:$0xB], $0x2000, $0x38;
	[tilespmem:$0x15C00] =	vst v63  }
0x49: {  	_ =	swait.ge [sflag:s21], $0x2000  }
0x4a: {  	[sflag:s21] =	ssyncset.done $0x0  }
0x4b: {  	s20 =	sadd.s32 @!p0 $0x300, s3;
	s28 =	simm.s32 @!p0 $0x5C00;
	[sflag:s21] =	ssyncadd.s32 $0xFFFFE000  }
0x4c: {  	[tilespmem:s28], [sflag:$0x3] =	stream.indirect.gather @!p0 [hbm4b:s1+s18], $0x80, s20, s18, $0xb8;
	[tilespmem:$0x15C00] =	vst v63  }
0x4d: {  	_ =	swait.ge [sflag:s30], $0x2000  }
0x4e: {  	[sflag:s30] =	ssyncset.done $0x0  }
0x4f: {  	s20 =	sadd.s32 s29, s14;
	s28 =	simm.s32 $0x7C00;
	[sflag:s30] =	ssyncadd.s32 $0xFFFFE000  }
0x50: {  	[hbm4b:s20+s4] =	stream.linear.scatter [tilespmem:s28], [sflag:$0xB], $0x2000, $0x38;
	[tilespmem:$0x15C00] =	vst v63  }
0x51: {  	_ =	swait.ge [sflag:s21], $0x2000  }
0x52: {  	[sflag:s21] =	ssyncset.done $0x0  }
0x53: {  	s20 =	sadd.s32 @!p0 $0x340, s3;
	s28 =	simm.s32 @!p0 $0x7C00;
	[sflag:s21] =	ssyncadd.s32 $0xFFFFE000  }
0x54: {  	[tilespmem:s28], [sflag:$0x4] =	stream.indirect.gather @!p0 [hbm4b:s1+s18], $0x80, s20, s18, $0xb8;
	[tilespmem:$0x15C00] =	vst v63  }
0x55: {  	_ =	swait.ge [sflag:s6], $0x2000  }
0x56: {  	[sflag:s6] =	ssyncset.done $0x0  }
0x57: {  	s20 =	sadd.s32 s29, s13;
	s28 =	simm.s32 $0x9C00;
	[sflag:s6] =	ssyncadd.s32 $0xFFFFE000  }
0x58: {  	[hbm4b:s20+s4] =	stream.linear.scatter [tilespmem:s28], [sflag:$0xB], $0x2000, $0x38;
	[tilespmem:$0x15C00] =	vst v63  }
0x59: {  	_ =	swait.ge [sflag:s21], $0x2000  }
0x5a: {  	[sflag:s21] =	ssyncset.done $0x0  }
0x5b: {  	s20 =	sadd.s32 @!p0 $0x380, s3;
	s28 =	simm.s32 @!p0 $0x9C00;
	[sflag:s21] =	ssyncadd.s32 $0xFFFFE000  }
0x5c: {  	[tilespmem:s28], [sflag:$0x5] =	stream.indirect.gather @!p0 [hbm4b:s1+s18], $0x80, s20, s18, $0xb8;
	[tilespmem:$0x15C00] =	vst v63  }
0x5d: {  	_ =	swait.ge [sflag:s7], $0x2000  }
0x5e: {  	[sflag:s7] =	ssyncset.done $0x0  }
0x5f: {  	s20 =	sadd.s32 s29, s12;
	s28 =	simm.s32 $0xBC00;
	[sflag:s7] =	ssyncadd.s32 $0xFFFFE000  }
0x60: {  	[hbm4b:s20+s4] =	stream.linear.scatter [tilespmem:s28], [sflag:$0xB], $0x2000, $0x38;
	[tilespmem:$0x15C00] =	vst v63  }
0x61: {  	_ =	swait.ge [sflag:s21], $0x2000  }
0x62: {  	[sflag:s21] =	ssyncset.done $0x0  }
0x63: {  	s20 =	sadd.s32 @!p0 $0x3C0, s3;
	s28 =	simm.s32 @!p0 $0xBC00;
	[sflag:s21] =	ssyncadd.s32 $0xFFFFE000  }
0x64: {  	[tilespmem:s28], [sflag:$0x6] =	stream.indirect.gather @!p0 [hbm4b:s1+s18], $0x80, s20, s18, $0xb8;
	[tilespmem:$0x15C00] =	vst v63  }
0x65: {  	_ =	swait.ge [sflag:s5], $0x2000  }
0x66: {  	[sflag:s5] =	ssyncset.done $0x0  }
0x67: {  	s20 =	sadd.s32 s29, s11;
	s28 =	simm.s32 $0xDC00;
	[sflag:s5] =	ssyncadd.s32 $0xFFFFE000  }
0x68: {  	[hbm4b:s20+s4] =	stream.linear.scatter [tilespmem:s28], [sflag:$0xB], $0x2000, $0x38;
	[tilespmem:$0x15C00] =	vst v63  }
0x69: {  	_ =	swait.ge [sflag:s21], $0x2000  }
0x6a: {  	[sflag:s21] =	ssyncset.done $0x0  }
0x6b: {  	s20 =	sadd.s32 @!p0 $0x400, s3;
	s28 =	simm.s32 @!p0 $0xDC00;
	[sflag:s21] =	ssyncadd.s32 $0xFFFFE000  }
0x6c: {  	[tilespmem:s28], [sflag:$0x7] =	stream.indirect.gather @!p0 [hbm4b:s1+s18], $0x80, s20, s18, $0xb8;
	[tilespmem:$0x15C00] =	vst v63  }
0x6d: {  	_ =	swait.ge [sflag:s23], $0x2000  }
0x6e: {  	[sflag:s23] =	ssyncset.done $0x0  }
0x6f: {  	s20 =	sadd.s32 s29, s10;
	s28 =	simm.s32 $0xFC00;
	[sflag:s23] =	ssyncadd.s32 $0xFFFFE000  }
0x70: {  	[hbm4b:s20+s4] =	stream.linear.scatter [tilespmem:s28], [sflag:$0xB], $0x2000, $0x38;
	[tilespmem:$0x15C00] =	vst v63  }
0x71: {  	_ =	swait.ge [sflag:s21], $0x2000  }
0x72: {  	[sflag:s21] =	ssyncset.done $0x0  }
0x73: {  	s20 =	sadd.s32 @!p0 $0x440, s3;
	s28 =	simm.s32 @!p0 $0xFC00;
	[sflag:s21] =	ssyncadd.s32 $0xFFFFE000  }
0x74: {  	[tilespmem:s28], [sflag:$0x8] =	stream.indirect.gather @!p0 [hbm4b:s1+s18], $0x80, s20, s18, $0xb8;
	[tilespmem:$0x15C00] =	vst v63  }
0x75: {  	_ =	swait.ge [sflag:s24], $0x2000  }
0x76: {  	[sflag:s24] =	ssyncset.done $0x0  }
0x77: {  	s20 =	sadd.s32 s29, s9;
	s28 =	simm.s32 $0x11C00;
	[sflag:s24] =	ssyncadd.s32 $0xFFFFE000  }
0x78: {  	[hbm4b:s20+s4] =	stream.linear.scatter [tilespmem:s28], [sflag:$0xB], $0x2000, $0x38;
	[tilespmem:$0x15C00] =	vst v63  }
0x79: {  	_ =	swait.ge [sflag:s21], $0x2000  }
0x7a: {  	[sflag:s21] =	ssyncset.done $0x0  }
0x7b: {  	s3 =	sadd.s32 @!p0 $0x480, s3;
	s20 =	simm.s32 @!p0 $0x11C00;
	[sflag:s21] =	ssyncadd.s32 $0xFFFFE000  }
0x7c: {  	[tilespmem:s20], [sflag:$0x9] =	stream.indirect.gather @!p0 [hbm4b:s1+s18], $0x80, s3, s18, $0xb8;
	[tilespmem:$0x15C00] =	vst v63  }
0x7d: {  	_ =	swait.ge [sflag:s26], $0x2000  }
0x7e: {  	[sflag:s26] =	ssyncset.done $0x0  }
.Ltmp2:
0x7f: {  	s28 =	sadd.s32 s29, s8;
	[sflag:s26] =	ssyncadd.s32 $0xFFFFE000;
	(pc) =	sbr.rel @p0 .LBB2_4-.Ltmp2, $4  }
0x80: {  	[hbm4b:s28+s4] =	stream.linear.scatter [tilespmem:s0], [sflag:$0xB], $0x2000, $0x38;
	[tilespmem:$0x15C00] =	vst v63  }
0x81: {  	_ =	swait.ge [sflag:s21], $0x2000  }
0x82: {  	[sflag:s21] =	ssyncset.done $0x0  }
0x83: {  	[sflag:s21] =	ssyncadd.s32 $0xFFFFE000  }
.Ltmp3:
0x84: {  	(pc) =	sbr.rel .LBB2_2-.Ltmp3, $4  }
0x85: {  	_ = 	snop  }
0x86: {  	s3 =	sshra.s32 s31, $0x2  }
0x87: {  	s31 =	sadd.s32 $0xA00, s31;
	s29 =	sadd.s32 $0x50000, s29;
	s3 =	sadd.s32 $0x4C0, s3  }
0x88: {  	[tilespmem:s0], [sflag:$0xA] =	stream.indirect.gather [hbm4b:s1+s22], $0x80, s3, s22, $0xb8;
	[tilespmem:$0x15C00] =	vst v63  }
.LBB2_5:
0x89: {  	_ =	sfence.sel $0x180000  }
0x8a: {  	[bflag:$0x0] =	sbarrier.arrive $0xFFFF  }
0x8b: {  	_ =	strace $0x90000047  }
0x8c: {  	s0 =	stileid.u32;
	[bflag:$0x2] =	sbarrier.arrive $0xFFFF  }
0x8d: {  	p0 =	sne.s32 s0, $0x0;
	s0 =	rddreg [dreg:$0x3]  }
0x8e: {  	s0 =	sadd.s32 @!p0 $0x100000, s0  }
0x8f: {  	[sflag:s0] =	ssyncadd.tile.s32 @!p0 $0x1;
	_ =	shalt  }
.Lfunc_end2:
_tile_overlayer_lowered:
.L_overlay_start_2:
0x90: {  	(tag) =	ssettag $0x2  }
0x91: {  	s0 =	rddreg [dreg:$0x0];
	s2 =	stileid.u32  }
0x92: {  	s1 =	rddreg [dreg:$0x1];
	p0 =	sne.s32 s2, $0x0  }
0x93: {  	s3 =	rddreg [dreg:$0x2];
	[bflag:$0x3] =	sbarrier.arrive $0xFFFF;
	s2 =	simm.s32 @!p0 $0x1C0B  }
0x94: {  	[timem:s3], [sflag:s2] =	dma.local @!p0 [hbm:s0], s1  }
0x95: {  	s0 =	simm.s32 @!p0 $0xB  }
0x96: {  	_ =	swait.ge @!p0 [sflag:s0], s1  }
0x97: {  	s1 =	ssub.s32 @!p0 $0x0, s1;
	[sflag:s0] =	ssyncset.done @!p0 $0x0  }
0x98: {  	[sflag:s0] =	ssyncadd.s32 @!p0 s1  }
0x99: {  	[bflag:$0x3] =	sbarrier.arrive $0xFFFF  }
0x9a: {  	_ =	shalt  }

</sc_bundles>
